<compile_context>
chip_gen: v7x
topology: tpu7x:2x2x1
jax: 0.10.2.dev20260603
libtpu: 0.0.44.dev20260713+nightly
codegen_flags: <defaults>
</compile_context>

<pallas_src>
import jax
import jax.numpy as jnp
from jax.experimental import pallas as pl
from jax.experimental.pallas import tpu as pltpu

K = 64
ROWS_PER_BLOCK = 32
_HI = jax.lax.Precision.HIGHEST


def _sort128_desc(v):
    b, n = v.shape
    j = jax.lax.broadcasted_iota(jnp.int32, (b, n), 1)
    for k in (2, 4, 8, 16, 32, 64, 128):
        d = k // 2
        while d >= 1:
            lower = (j & d) == 0
            partner = jnp.where(lower,
                                pltpu.roll(v, n - d, 1),
                                pltpu.roll(v, d, 1))
            keep_max = lower ^ ((j & k) != 0)
            v = jnp.where(keep_max,
                          jnp.maximum(v, partner),
                          jnp.minimum(v, partner))
            d //= 2
    return v


def _level(y):
    b, s, g = y.shape
    a = jnp.max(y, axis=1)
    ap = a[:, :, None]
    aq = a[:, None, :]
    ip = jax.lax.broadcasted_iota(jnp.int32, (b, g, g), 1)
    iq = jax.lax.broadcasted_iota(jnp.int32, (b, g, g), 2)
    beats = ((aq > ap) | ((aq == ap) & (iq < ip))).astype(jnp.float32)
    ones = jnp.ones((b, g, 1), dtype=jnp.float32)
    rank = jax.lax.dot_general(
        beats, ones, (((2,), (1,)), ((0,), (0,))),
        preferred_element_type=jnp.float32)
    im = jax.lax.broadcasted_iota(jnp.int32, (b, g, K), 2)
    p = (rank.astype(jnp.int32) == im).astype(jnp.float32)
    yc = jax.lax.dot_general(
        y, p, (((2,), (1,)), ((0,), (0,))),
        precision=_HI, preferred_element_type=jnp.float32)
    s2 = s // 2
    return jnp.concatenate([yc[:, :s2], yc[:, s2:]], axis=2)


def _topk_body(x_ref, o_ref):
    y = x_ref[...]
    b = y.shape[0]
    for _ in range(8):
        y = _level(y)
    v = _sort128_desc(y.reshape(b, 128))
    o_ref[...] = jax.lax.slice(v, (0, 0), (b, K))


def kernel(x):
    b0, b1, n = x.shape
    r = b0 * b1
    x3 = x.reshape(r, n // 128, 128)
    out = pl.pallas_call(
        _topk_body,
        grid=(r // ROWS_PER_BLOCK,),
        in_specs=[pl.BlockSpec((ROWS_PER_BLOCK, n // 128, 128),
                               lambda i: (i, 0, 0))],
        out_specs=pl.BlockSpec((ROWS_PER_BLOCK, K), lambda i: (i, 0)),
        out_shape=jax.ShapeDtypeStruct((r, K), x.dtype),
    )(x3)
    return out.reshape(b0, b1, K)

# --- scband reference (transcript-rebuilt; emitter-appended) ---
"""Pipeline reference for scband-kmax-pooling-27333171872383 (READ-ONLY COPY).

The authoritative reference and input builder live on the scoring server;
editing this copy changes nothing except your own understanding.
"""

import jax, jax.numpy as jnp
import numpy as np

K = 64

def setup_inputs(seed: int = 0) -> dict:
    key = jax.random.key(seed)
    x = jax.random.normal(key, (32, 32, 32768), dtype=jnp.float32)
    return {"x": x}

def reference(x):
    # torch.topk(x, k, dim=2)[0] -> values of top-k along axis 2 (last axis of 3D input)
    vals, _ = jax.lax.top_k(x, K)
    return vals

if __name__ == "__main__":
    import jax
    _d = setup_inputs()
    print(jax.jit(kernel)(*tuple(_d.values())))

</pallas_src>

<mosaic_0001>
module attributes {stable_mosaic.version = 14 : i64} {
  func.func @_topk_body(%arg0: i32, %arg1: memref<32x256x128xf32, #tpu.memory_space<vmem>>, %arg2: memref<32x64xf32, #tpu.memory_space<vmem>>) attributes {dimension_semantics = [#tpu.dimension_semantics<arbitrary>], iteration_bounds = array<i64: 32>, scalar_prefetch = 0 : i64, scratch_operands = 0 : i64, tpu.core_type = #tpu.core_type<tc>, window_params = [{transform_indices = @transform_0, window_bounds = array<i64: 32, 256, 128>}, {transform_indices = @transform_1, window_bounds = array<i64: 32, 64>}]} {
    %get3A = arith.constant 0 : index
    %get3A_0 = arith.constant 0 : index
    %get3A_1 = arith.constant 0 : index
    %get3A_2 = vector.load %arg1[%get3A, %get3A_0, %get3A_1] : memref<32x256x128xf32, #tpu.memory_space<vmem>>, vector<32x256x128xf32>
    %reduce_max3A = arith.constant dense<0xFF800000> : vector<32x128xf32>
    %reduce_max3A_3 = vector.multi_reduction <maximumf>, %get3A_2, %reduce_max3A [1] : vector<32x256x128xf32> to vector<32x128xf32>
    %broadcast_in_dim3A = vector.shape_cast %reduce_max3A_3 : vector<32x128xf32> to vector<32x128x1xf32>
    %broadcast_in_dim3A_4 = vector.shape_cast %reduce_max3A_3 : vector<32x128xf32> to vector<32x1x128xf32>
    %iota3A = tpu.iota {dimensions = array<i32: 1>} : vector<32x128x128xi32>
    %iota3A_5 = tpu.iota {dimensions = array<i32: 2>} : vector<32x128x128xi32>
    %gt3A = vector.broadcast %broadcast_in_dim3A_4 : vector<32x1x128xf32> to vector<32x128x128xf32>
    %gt3A_6 = vector.broadcast %broadcast_in_dim3A : vector<32x128x1xf32> to vector<32x128x128xf32>
    %gt3A_7 = arith.cmpf ogt, %gt3A, %gt3A_6 : vector<32x128x128xf32>
    %eq3A = vector.broadcast %broadcast_in_dim3A_4 : vector<32x1x128xf32> to vector<32x128x128xf32>
    %eq3A_8 = vector.broadcast %broadcast_in_dim3A : vector<32x128x1xf32> to vector<32x128x128xf32>
    %eq3A_9 = arith.cmpf oeq, %eq3A, %eq3A_8 : vector<32x128x128xf32>
    %lt3A = arith.cmpi slt, %iota3A_5, %iota3A : vector<32x128x128xi32>
    %and3A = arith.andi %eq3A_9, %lt3A : vector<32x128x128xi1>
    %or3A = arith.ori %gt3A_7, %and3A : vector<32x128x128xi1>
    %convert_element_type3A = arith.extui %or3A : vector<32x128x128xi1> to vector<32x128x128xi32>
    %convert_element_type3A_10 = arith.sitofp %convert_element_type3A : vector<32x128x128xi32> to vector<32x128x128xf32>
    %broadcast_in_dim3A_11 = arith.constant 1.000000e+00 : f32
    %broadcast_in_dim3A_12 = vector.broadcast %broadcast_in_dim3A_11 : f32 to vector<32x128x1xf32>
    %dot_general3A = arith.constant dense<0.000000e+00> : vector<32x128x1xf32>
    %dot_general3A_13 = tpu.matmul %convert_element_type3A_10, %broadcast_in_dim3A_12, %dot_general3A {dimension_numbers = #tpu.dot_dimension_numbers<[2], [1], [1], [2], [0, 0, 0, 1, 1, 2], [0], [0]>, transpose_lhs_hint = false} : vector<32x128x128xf32>, vector<32x128x1xf32>, vector<32x128x1xf32> -> vector<32x128x1xf32>
    %iota3A_14 = tpu.iota {dimensions = array<i32: 2>} : vector<32x128x64xi32>
    %convert_element_type3A_15 = arith.fptosi %dot_general3A_13 : vector<32x128x1xf32> to vector<32x128x1xi32>
    %eq3A_16 = vector.broadcast %convert_element_type3A_15 : vector<32x128x1xi32> to vector<32x128x64xi32>
    %eq3A_17 = arith.cmpi eq, %eq3A_16, %iota3A_14 : vector<32x128x64xi32>
    %convert_element_type3A_18 = arith.extui %eq3A_17 : vector<32x128x64xi1> to vector<32x128x64xi32>
    %convert_element_type3A_19 = arith.sitofp %convert_element_type3A_18 : vector<32x128x64xi32> to vector<32x128x64xf32>
    %dot_general3A_20 = arith.constant dense<0.000000e+00> : vector<32x256x64xf32>
    %dot_general3A_21 = tpu.matmul %get3A_2, %convert_element_type3A_19, %dot_general3A_20 {dimension_numbers = #tpu.dot_dimension_numbers<[2], [1], [1], [2], [0, 0, 0, 1, 1, 2], [0], [0]>, precision = #tpu.contract_precision<fp32>, transpose_lhs_hint = false} : vector<32x256x128xf32>, vector<32x128x64xf32>, vector<32x256x64xf32> -> vector<32x256x64xf32>
    %slice3A = vector.extract_strided_slice %dot_general3A_21 {offsets = [0, 0, 0], sizes = [32, 128, 64], strides = [1, 1, 1]} : vector<32x256x64xf32> to vector<32x128x64xf32>
    %slice3A_22 = vector.extract_strided_slice %dot_general3A_21 {offsets = [0, 128, 0], sizes = [32, 128, 64], strides = [1, 1, 1]} : vector<32x256x64xf32> to vector<32x128x64xf32>
    %concatenate3A = tpu.concatenate %slice3A, %slice3A_22 in 2 : vector<32x128x64xf32>, vector<32x128x64xf32> -> vector<32x128x128xf32>
    %reduce_max3A_23 = arith.constant dense<0xFF800000> : vector<32x128xf32>
    %reduce_max3A_24 = vector.multi_reduction <maximumf>, %concatenate3A, %reduce_max3A_23 [1] : vector<32x128x128xf32> to vector<32x128xf32>
    %broadcast_in_dim3A_25 = vector.shape_cast %reduce_max3A_24 : vector<32x128xf32> to vector<32x128x1xf32>
    %broadcast_in_dim3A_26 = vector.shape_cast %reduce_max3A_24 : vector<32x128xf32> to vector<32x1x128xf32>
    %iota3A_27 = tpu.iota {dimensions = array<i32: 1>} : vector<32x128x128xi32>
    %iota3A_28 = tpu.iota {dimensions = array<i32: 2>} : vector<32x128x128xi32>
    %gt3A_29 = vector.broadcast %broadcast_in_dim3A_26 : vector<32x1x128xf32> to vector<32x128x128xf32>
    %gt3A_30 = vector.broadcast %broadcast_in_dim3A_25 : vector<32x128x1xf32> to vector<32x128x128xf32>
    %gt3A_31 = arith.cmpf ogt, %gt3A_29, %gt3A_30 : vector<32x128x128xf32>
    %eq3A_32 = vector.broadcast %broadcast_in_dim3A_26 : vector<32x1x128xf32> to vector<32x128x128xf32>
    %eq3A_33 = vector.broadcast %broadcast_in_dim3A_25 : vector<32x128x1xf32> to vector<32x128x128xf32>
    %eq3A_34 = arith.cmpf oeq, %eq3A_32, %eq3A_33 : vector<32x128x128xf32>
    %lt3A_35 = arith.cmpi slt, %iota3A_28, %iota3A_27 : vector<32x128x128xi32>
    %and3A_36 = arith.andi %eq3A_34, %lt3A_35 : vector<32x128x128xi1>
    %or3A_37 = arith.ori %gt3A_31, %and3A_36 : vector<32x128x128xi1>
    %convert_element_type3A_38 = arith.extui %or3A_37 : vector<32x128x128xi1> to vector<32x128x128xi32>
    %convert_element_type3A_39 = arith.sitofp %convert_element_type3A_38 : vector<32x128x128xi32> to vector<32x128x128xf32>
    %broadcast_in_dim3A_40 = arith.constant 1.000000e+00 : f32
    %broadcast_in_dim3A_41 = vector.broadcast %broadcast_in_dim3A_40 : f32 to vector<32x128x1xf32>
    %dot_general3A_42 = arith.constant dense<0.000000e+00> : vector<32x128x1xf32>
    %dot_general3A_43 = tpu.matmul %convert_element_type3A_39, %broadcast_in_dim3A_41, %dot_general3A_42 {dimension_numbers = #tpu.dot_dimension_numbers<[2], [1], [1], [2], [0, 0, 0, 1, 1, 2], [0], [0]>, transpose_lhs_hint = false} : vector<32x128x128xf32>, vector<32x128x1xf32>, vector<32x128x1xf32> -> vector<32x128x1xf32>
    %iota3A_44 = tpu.iota {dimensions = array<i32: 2>} : vector<32x128x64xi32>
    %convert_element_type3A_45 = arith.fptosi %dot_general3A_43 : vector<32x128x1xf32> to vector<32x128x1xi32>
    %eq3A_46 = vector.broadcast %convert_element_type3A_45 : vector<32x128x1xi32> to vector<32x128x64xi32>
    %eq3A_47 = arith.cmpi eq, %eq3A_46, %iota3A_44 : vector<32x128x64xi32>
    %convert_element_type3A_48 = arith.extui %eq3A_47 : vector<32x128x64xi1> to vector<32x128x64xi32>
    %convert_element_type3A_49 = arith.sitofp %convert_element_type3A_48 : vector<32x128x64xi32> to vector<32x128x64xf32>
    %dot_general3A_50 = arith.constant dense<0.000000e+00> : vector<32x128x64xf32>
    %dot_general3A_51 = tpu.matmul %concatenate3A, %convert_element_type3A_49, %dot_general3A_50 {dimension_numbers = #tpu.dot_dimension_numbers<[2], [1], [1], [2], [0, 0, 0, 1, 1, 2], [0], [0]>, precision = #tpu.contract_precision<fp32>, transpose_lhs_hint = false} : vector<32x128x128xf32>, vector<32x128x64xf32>, vector<32x128x64xf32> -> vector<32x128x64xf32>
    %slice3A_52 = vector.extract_strided_slice %dot_general3A_51 {offsets = [0, 0, 0], sizes = [32, 64, 64], strides = [1, 1, 1]} : vector<32x128x64xf32> to vector<32x64x64xf32>
    %slice3A_53 = vector.extract_strided_slice %dot_general3A_51 {offsets = [0, 64, 0], sizes = [32, 64, 64], strides = [1, 1, 1]} : vector<32x128x64xf32> to vector<32x64x64xf32>
    %concatenate3A_54 = tpu.concatenate %slice3A_52, %slice3A_53 in 2 : vector<32x64x64xf32>, vector<32x64x64xf32> -> vector<32x64x128xf32>
    %reduce_max3A_55 = arith.constant dense<0xFF800000> : vector<32x128xf32>
    %reduce_max3A_56 = vector.multi_reduction <maximumf>, %concatenate3A_54, %reduce_max3A_55 [1] : vector<32x64x128xf32> to vector<32x128xf32>
    %broadcast_in_dim3A_57 = vector.shape_cast %reduce_max3A_56 : vector<32x128xf32> to vector<32x128x1xf32>
    %broadcast_in_dim3A_58 = vector.shape_cast %reduce_max3A_56 : vector<32x128xf32> to vector<32x1x128xf32>
    %iota3A_59 = tpu.iota {dimensions = array<i32: 1>} : vector<32x128x128xi32>
    %iota3A_60 = tpu.iota {dimensions = array<i32: 2>} : vector<32x128x128xi32>
    %gt3A_61 = vector.broadcast %broadcast_in_dim3A_58 : vector<32x1x128xf32> to vector<32x128x128xf32>
    %gt3A_62 = vector.broadcast %broadcast_in_dim3A_57 : vector<32x128x1xf32> to vector<32x128x128xf32>
    %gt3A_63 = arith.cmpf ogt, %gt3A_61, %gt3A_62 : vector<32x128x128xf32>
    %eq3A_64 = vector.broadcast %broadcast_in_dim3A_58 : vector<32x1x128xf32> to vector<32x128x128xf32>
    %eq3A_65 = vector.broadcast %broadcast_in_dim3A_57 : vector<32x128x1xf32> to vector<32x128x128xf32>
    %eq3A_66 = arith.cmpf oeq, %eq3A_64, %eq3A_65 : vector<32x128x128xf32>
    %lt3A_67 = arith.cmpi slt, %iota3A_60, %iota3A_59 : vector<32x128x128xi32>
    %and3A_68 = arith.andi %eq3A_66, %lt3A_67 : vector<32x128x128xi1>
    %or3A_69 = arith.ori %gt3A_63, %and3A_68 : vector<32x128x128xi1>
    %convert_element_type3A_70 = arith.extui %or3A_69 : vector<32x128x128xi1> to vector<32x128x128xi32>
    %convert_element_type3A_71 = arith.sitofp %convert_element_type3A_70 : vector<32x128x128xi32> to vector<32x128x128xf32>
    %broadcast_in_dim3A_72 = arith.constant 1.000000e+00 : f32
    %broadcast_in_dim3A_73 = vector.broadcast %broadcast_in_dim3A_72 : f32 to vector<32x128x1xf32>
    %dot_general3A_74 = arith.constant dense<0.000000e+00> : vector<32x128x1xf32>
    %dot_general3A_75 = tpu.matmul %convert_element_type3A_71, %broadcast_in_dim3A_73, %dot_general3A_74 {dimension_numbers = #tpu.dot_dimension_numbers<[2], [1], [1], [2], [0, 0, 0, 1, 1, 2], [0], [0]>, transpose_lhs_hint = false} : vector<32x128x128xf32>, vector<32x128x1xf32>, vector<32x128x1xf32> -> vector<32x128x1xf32>
    %iota3A_76 = tpu.iota {dimensions = array<i32: 2>} : vector<32x128x64xi32>
    %convert_element_type3A_77 = arith.fptosi %dot_general3A_75 : vector<32x128x1xf32> to vector<32x128x1xi32>
    %eq3A_78 = vector.broadcast %convert_element_type3A_77 : vector<32x128x1xi32> to vector<32x128x64xi32>
    %eq3A_79 = arith.cmpi eq, %eq3A_78, %iota3A_76 : vector<32x128x64xi32>
    %convert_element_type3A_80 = arith.extui %eq3A_79 : vector<32x128x64xi1> to vector<32x128x64xi32>
    %convert_element_type3A_81 = arith.sitofp %convert_element_type3A_80 : vector<32x128x64xi32> to vector<32x128x64xf32>
    %dot_general3A_82 = arith.constant dense<0.000000e+00> : vector<32x64x64xf32>
    %dot_general3A_83 = tpu.matmul %concatenate3A_54, %convert_element_type3A_81, %dot_general3A_82 {dimension_numbers = #tpu.dot_dimension_numbers<[2], [1], [1], [2], [0, 0, 0, 1, 1, 2], [0], [0]>, precision = #tpu.contract_precision<fp32>, transpose_lhs_hint = false} : vector<32x64x128xf32>, vector<32x128x64xf32>, vector<32x64x64xf32> -> vector<32x64x64xf32>
    %slice3A_84 = vector.extract_strided_slice %dot_general3A_83 {offsets = [0, 0, 0], sizes = [32, 32, 64], strides = [1, 1, 1]} : vector<32x64x64xf32> to vector<32x32x64xf32>
    %slice3A_85 = vector.extract_strided_slice %dot_general3A_83 {offsets = [0, 32, 0], sizes = [32, 32, 64], strides = [1, 1, 1]} : vector<32x64x64xf32> to vector<32x32x64xf32>
    %concatenate3A_86 = tpu.concatenate %slice3A_84, %slice3A_85 in 2 : vector<32x32x64xf32>, vector<32x32x64xf32> -> vector<32x32x128xf32>
    %reduce_max3A_87 = arith.constant dense<0xFF800000> : vector<32x128xf32>
    %reduce_max3A_88 = vector.multi_reduction <maximumf>, %concatenate3A_86, %reduce_max3A_87 [1] : vector<32x32x128xf32> to vector<32x128xf32>
    %broadcast_in_dim3A_89 = vector.shape_cast %reduce_max3A_88 : vector<32x128xf32> to vector<32x128x1xf32>
    %broadcast_in_dim3A_90 = vector.shape_cast %reduce_max3A_88 : vector<32x128xf32> to vector<32x1x128xf32>
    %iota3A_91 = tpu.iota {dimensions = array<i32: 1>} : vector<32x128x128xi32>
    %iota3A_92 = tpu.iota {dimensions = array<i32: 2>} : vector<32x128x128xi32>
    %gt3A_93 = vector.broadcast %broadcast_in_dim3A_90 : vector<32x1x128xf32> to vector<32x128x128xf32>
    %gt3A_94 = vector.broadcast %broadcast_in_dim3A_89 : vector<32x128x1xf32> to vector<32x128x128xf32>
    %gt3A_95 = arith.cmpf ogt, %gt3A_93, %gt3A_94 : vector<32x128x128xf32>
    %eq3A_96 = vector.broadcast %broadcast_in_dim3A_90 : vector<32x1x128xf32> to vector<32x128x128xf32>
    %eq3A_97 = vector.broadcast %broadcast_in_dim3A_89 : vector<32x128x1xf32> to vector<32x128x128xf32>
    %eq3A_98 = arith.cmpf oeq, %eq3A_96, %eq3A_97 : vector<32x128x128xf32>
    %lt3A_99 = arith.cmpi slt, %iota3A_92, %iota3A_91 : vector<32x128x128xi32>
    %and3A_100 = arith.andi %eq3A_98, %lt3A_99 : vector<32x128x128xi1>
    %or3A_101 = arith.ori %gt3A_95, %and3A_100 : vector<32x128x128xi1>
    %convert_element_type3A_102 = arith.extui %or3A_101 : vector<32x128x128xi1> to vector<32x128x128xi32>
    %convert_element_type3A_103 = arith.sitofp %convert_element_type3A_102 : vector<32x128x128xi32> to vector<32x128x128xf32>
    %broadcast_in_dim3A_104 = arith.constant 1.000000e+00 : f32
    %broadcast_in_dim3A_105 = vector.broadcast %broadcast_in_dim3A_104 : f32 to vector<32x128x1xf32>
    %dot_general3A_106 = arith.constant dense<0.000000e+00> : vector<32x128x1xf32>
    %dot_general3A_107 = tpu.matmul %convert_element_type3A_103, %broadcast_in_dim3A_105, %dot_general3A_106 {dimension_numbers = #tpu.dot_dimension_numbers<[2], [1], [1], [2], [0, 0, 0, 1, 1, 2], [0], [0]>, transpose_lhs_hint = false} : vector<32x128x128xf32>, vector<32x128x1xf32>, vector<32x128x1xf32> -> vector<32x128x1xf32>
    %iota3A_108 = tpu.iota {dimensions = array<i32: 2>} : vector<32x128x64xi32>
    %convert_element_type3A_109 = arith.fptosi %dot_general3A_107 : vector<32x128x1xf32> to vector<32x128x1xi32>
    %eq3A_110 = vector.broadcast %convert_element_type3A_109 : vector<32x128x1xi32> to vector<32x128x64xi32>
    %eq3A_111 = arith.cmpi eq, %eq3A_110, %iota3A_108 : vector<32x128x64xi32>
    %convert_element_type3A_112 = arith.extui %eq3A_111 : vector<32x128x64xi1> to vector<32x128x64xi32>
    %convert_element_type3A_113 = arith.sitofp %convert_element_type3A_112 : vector<32x128x64xi32> to vector<32x128x64xf32>
    %dot_general3A_114 = arith.constant dense<0.000000e+00> : vector<32x32x64xf32>
    %dot_general3A_115 = tpu.matmul %concatenate3A_86, %convert_element_type3A_113, %dot_general3A_114 {dimension_numbers = #tpu.dot_dimension_numbers<[2], [1], [1], [2], [0, 0, 0, 1, 1, 2], [0], [0]>, precision = #tpu.contract_precision<fp32>, transpose_lhs_hint = false} : vector<32x32x128xf32>, vector<32x128x64xf32>, vector<32x32x64xf32> -> vector<32x32x64xf32>
    %slice3A_116 = vector.extract_strided_slice %dot_general3A_115 {offsets = [0, 0, 0], sizes = [32, 16, 64], strides = [1, 1, 1]} : vector<32x32x64xf32> to vector<32x16x64xf32>
    %slice3A_117 = vector.extract_strided_slice %dot_general3A_115 {offsets = [0, 16, 0], sizes = [32, 16, 64], strides = [1, 1, 1]} : vector<32x32x64xf32> to vector<32x16x64xf32>
    %concatenate3A_118 = tpu.concatenate %slice3A_116, %slice3A_117 in 2 : vector<32x16x64xf32>, vector<32x16x64xf32> -> vector<32x16x128xf32>
    %reduce_max3A_119 = arith.constant dense<0xFF800000> : vector<32x128xf32>
    %reduce_max3A_120 = vector.multi_reduction <maximumf>, %concatenate3A_118, %reduce_max3A_119 [1] : vector<32x16x128xf32> to vector<32x128xf32>
    %broadcast_in_dim3A_121 = vector.shape_cast %reduce_max3A_120 : vector<32x128xf32> to vector<32x128x1xf32>
    %broadcast_in_dim3A_122 = vector.shape_cast %reduce_max3A_120 : vector<32x128xf32> to vector<32x1x128xf32>
    %iota3A_123 = tpu.iota {dimensions = array<i32: 1>} : vector<32x128x128xi32>
    %iota3A_124 = tpu.iota {dimensions = array<i32: 2>} : vector<32x128x128xi32>
    %gt3A_125 = vector.broadcast %broadcast_in_dim3A_122 : vector<32x1x128xf32> to vector<32x128x128xf32>
    %gt3A_126 = vector.broadcast %broadcast_in_dim3A_121 : vector<32x128x1xf32> to vector<32x128x128xf32>
    %gt3A_127 = arith.cmpf ogt, %gt3A_125, %gt3A_126 : vector<32x128x128xf32>
    %eq3A_128 = vector.broadcast %broadcast_in_dim3A_122 : vector<32x1x128xf32> to vector<32x128x128xf32>
    %eq3A_129 = vector.broadcast %broadcast_in_dim3A_121 : vector<32x128x1xf32> to vector<32x128x128xf32>
    %eq3A_130 = arith.cmpf oeq, %eq3A_128, %eq3A_129 : vector<32x128x128xf32>
    %lt3A_131 = arith.cmpi slt, %iota3A_124, %iota3A_123 : vector<32x128x128xi32>
    %and3A_132 = arith.andi %eq3A_130, %lt3A_131 : vector<32x128x128xi1>
    %or3A_133 = arith.ori %gt3A_127, %and3A_132 : vector<32x128x128xi1>
    %convert_element_type3A_134 = arith.extui %or3A_133 : vector<32x128x128xi1> to vector<32x128x128xi32>
    %convert_element_type3A_135 = arith.sitofp %convert_element_type3A_134 : vector<32x128x128xi32> to vector<32x128x128xf32>
    %broadcast_in_dim3A_136 = arith.constant 1.000000e+00 : f32
    %broadcast_in_dim3A_137 = vector.broadcast %broadcast_in_dim3A_136 : f32 to vector<32x128x1xf32>
    %dot_general3A_138 = arith.constant dense<0.000000e+00> : vector<32x128x1xf32>
    %dot_general3A_139 = tpu.matmul %convert_element_type3A_135, %broadcast_in_dim3A_137, %dot_general3A_138 {dimension_numbers = #tpu.dot_dimension_numbers<[2], [1], [1], [2], [0, 0, 0, 1, 1, 2], [0], [0]>, transpose_lhs_hint = false} : vector<32x128x128xf32>, vector<32x128x1xf32>, vector<32x128x1xf32> -> vector<32x128x1xf32>
    %iota3A_140 = tpu.iota {dimensions = array<i32: 2>} : vector<32x128x64xi32>
    %convert_element_type3A_141 = arith.fptosi %dot_general3A_139 : vector<32x128x1xf32> to vector<32x128x1xi32>
    %eq3A_142 = vector.broadcast %convert_element_type3A_141 : vector<32x128x1xi32> to vector<32x128x64xi32>
    %eq3A_143 = arith.cmpi eq, %eq3A_142, %iota3A_140 : vector<32x128x64xi32>
    %convert_element_type3A_144 = arith.extui %eq3A_143 : vector<32x128x64xi1> to vector<32x128x64xi32>
    %convert_element_type3A_145 = arith.sitofp %convert_element_type3A_144 : vector<32x128x64xi32> to vector<32x128x64xf32>
    %dot_general3A_146 = arith.constant dense<0.000000e+00> : vector<32x16x64xf32>
    %dot_general3A_147 = tpu.matmul %concatenate3A_118, %convert_element_type3A_145, %dot_general3A_146 {dimension_numbers = #tpu.dot_dimension_numbers<[2], [1], [1], [2], [0, 0, 0, 1, 1, 2], [0], [0]>, precision = #tpu.contract_precision<fp32>, transpose_lhs_hint = false} : vector<32x16x128xf32>, vector<32x128x64xf32>, vector<32x16x64xf32> -> vector<32x16x64xf32>
    %slice3A_148 = vector.extract_strided_slice %dot_general3A_147 {offsets = [0, 0, 0], sizes = [32, 8, 64], strides = [1, 1, 1]} : vector<32x16x64xf32> to vector<32x8x64xf32>
    %slice3A_149 = vector.extract_strided_slice %dot_general3A_147 {offsets = [0, 8, 0], sizes = [32, 8, 64], strides = [1, 1, 1]} : vector<32x16x64xf32> to vector<32x8x64xf32>
    %concatenate3A_150 = tpu.concatenate %slice3A_148, %slice3A_149 in 2 : vector<32x8x64xf32>, vector<32x8x64xf32> -> vector<32x8x128xf32>
    %reduce_max3A_151 = arith.constant dense<0xFF800000> : vector<32x128xf32>
    %reduce_max3A_152 = vector.multi_reduction <maximumf>, %concatenate3A_150, %reduce_max3A_151 [1] : vector<32x8x128xf32> to vector<32x128xf32>
    %broadcast_in_dim3A_153 = vector.shape_cast %reduce_max3A_152 : vector<32x128xf32> to vector<32x128x1xf32>
    %broadcast_in_dim3A_154 = vector.shape_cast %reduce_max3A_152 : vector<32x128xf32> to vector<32x1x128xf32>
    %iota3A_155 = tpu.iota {dimensions = array<i32: 1>} : vector<32x128x128xi32>
    %iota3A_156 = tpu.iota {dimensions = array<i32: 2>} : vector<32x128x128xi32>
    %gt3A_157 = vector.broadcast %broadcast_in_dim3A_154 : vector<32x1x128xf32> to vector<32x128x128xf32>
    %gt3A_158 = vector.broadcast %broadcast_in_dim3A_153 : vector<32x128x1xf32> to vector<32x128x128xf32>
    %gt3A_159 = arith.cmpf ogt, %gt3A_157, %gt3A_158 : vector<32x128x128xf32>
    %eq3A_160 = vector.broadcast %broadcast_in_dim3A_154 : vector<32x1x128xf32> to vector<32x128x128xf32>
    %eq3A_161 = vector.broadcast %broadcast_in_dim3A_153 : vector<32x128x1xf32> to vector<32x128x128xf32>
    %eq3A_162 = arith.cmpf oeq, %eq3A_160, %eq3A_161 : vector<32x128x128xf32>
    %lt3A_163 = arith.cmpi slt, %iota3A_156, %iota3A_155 : vector<32x128x128xi32>
    %and3A_164 = arith.andi %eq3A_162, %lt3A_163 : vector<32x128x128xi1>
    %or3A_165 = arith.ori %gt3A_159, %and3A_164 : vector<32x128x128xi1>
    %convert_element_type3A_166 = arith.extui %or3A_165 : vector<32x128x128xi1> to vector<32x128x128xi32>
    %convert_element_type3A_167 = arith.sitofp %convert_element_type3A_166 : vector<32x128x128xi32> to vector<32x128x128xf32>
    %broadcast_in_dim3A_168 = arith.constant 1.000000e+00 : f32
    %broadcast_in_dim3A_169 = vector.broadcast %broadcast_in_dim3A_168 : f32 to vector<32x128x1xf32>
    %dot_general3A_170 = arith.constant dense<0.000000e+00> : vector<32x128x1xf32>
    %dot_general3A_171 = tpu.matmul %convert_element_type3A_167, %broadcast_in_dim3A_169, %dot_general3A_170 {dimension_numbers = #tpu.dot_dimension_numbers<[2], [1], [1], [2], [0, 0, 0, 1, 1, 2], [0], [0]>, transpose_lhs_hint = false} : vector<32x128x128xf32>, vector<32x128x1xf32>, vector<32x128x1xf32> -> vector<32x128x1xf32>
    %iota3A_172 = tpu.iota {dimensions = array<i32: 2>} : vector<32x128x64xi32>
    %convert_element_type3A_173 = arith.fptosi %dot_general3A_171 : vector<32x128x1xf32> to vector<32x128x1xi32>
    %eq3A_174 = vector.broadcast %convert_element_type3A_173 : vector<32x128x1xi32> to vector<32x128x64xi32>
    %eq3A_175 = arith.cmpi eq, %eq3A_174, %iota3A_172 : vector<32x128x64xi32>
    %convert_element_type3A_176 = arith.extui %eq3A_175 : vector<32x128x64xi1> to vector<32x128x64xi32>
    %convert_element_type3A_177 = arith.sitofp %convert_element_type3A_176 : vector<32x128x64xi32> to vector<32x128x64xf32>
    %dot_general3A_178 = arith.constant dense<0.000000e+00> : vector<32x8x64xf32>
    %dot_general3A_179 = tpu.matmul %concatenate3A_150, %convert_element_type3A_177, %dot_general3A_178 {dimension_numbers = #tpu.dot_dimension_numbers<[2], [1], [1], [2], [0, 0, 0, 1, 1, 2], [0], [0]>, precision = #tpu.contract_precision<fp32>, transpose_lhs_hint = false} : vector<32x8x128xf32>, vector<32x128x64xf32>, vector<32x8x64xf32> -> vector<32x8x64xf32>
    %slice3A_180 = vector.extract_strided_slice %dot_general3A_179 {offsets = [0, 0, 0], sizes = [32, 4, 64], strides = [1, 1, 1]} : vector<32x8x64xf32> to vector<32x4x64xf32>
    %slice3A_181 = vector.extract_strided_slice %dot_general3A_179 {offsets = [0, 4, 0], sizes = [32, 4, 64], strides = [1, 1, 1]} : vector<32x8x64xf32> to vector<32x4x64xf32>
    %concatenate3A_182 = tpu.concatenate %slice3A_180, %slice3A_181 in 2 : vector<32x4x64xf32>, vector<32x4x64xf32> -> vector<32x4x128xf32>
    %reduce_max3A_183 = arith.constant dense<0xFF800000> : vector<32x128xf32>
    %reduce_max3A_184 = vector.multi_reduction <maximumf>, %concatenate3A_182, %reduce_max3A_183 [1] : vector<32x4x128xf32> to vector<32x128xf32>
    %broadcast_in_dim3A_185 = vector.shape_cast %reduce_max3A_184 : vector<32x128xf32> to vector<32x128x1xf32>
    %broadcast_in_dim3A_186 = vector.shape_cast %reduce_max3A_184 : vector<32x128xf32> to vector<32x1x128xf32>
    %iota3A_187 = tpu.iota {dimensions = array<i32: 1>} : vector<32x128x128xi32>
    %iota3A_188 = tpu.iota {dimensions = array<i32: 2>} : vector<32x128x128xi32>
    %gt3A_189 = vector.broadcast %broadcast_in_dim3A_186 : vector<32x1x128xf32> to vector<32x128x128xf32>
    %gt3A_190 = vector.broadcast %broadcast_in_dim3A_185 : vector<32x128x1xf32> to vector<32x128x128xf32>
    %gt3A_191 = arith.cmpf ogt, %gt3A_189, %gt3A_190 : vector<32x128x128xf32>
    %eq3A_192 = vector.broadcast %broadcast_in_dim3A_186 : vector<32x1x128xf32> to vector<32x128x128xf32>
    %eq3A_193 = vector.broadcast %broadcast_in_dim3A_185 : vector<32x128x1xf32> to vector<32x128x128xf32>
    %eq3A_194 = arith.cmpf oeq, %eq3A_192, %eq3A_193 : vector<32x128x128xf32>
    %lt3A_195 = arith.cmpi slt, %iota3A_188, %iota3A_187 : vector<32x128x128xi32>
    %and3A_196 = arith.andi %eq3A_194, %lt3A_195 : vector<32x128x128xi1>
    %or3A_197 = arith.ori %gt3A_191, %and3A_196 : vector<32x128x128xi1>
    %convert_element_type3A_198 = arith.extui %or3A_197 : vector<32x128x128xi1> to vector<32x128x128xi32>
    %convert_element_type3A_199 = arith.sitofp %convert_element_type3A_198 : vector<32x128x128xi32> to vector<32x128x128xf32>
    %broadcast_in_dim3A_200 = arith.constant 1.000000e+00 : f32
    %broadcast_in_dim3A_201 = vector.broadcast %broadcast_in_dim3A_200 : f32 to vector<32x128x1xf32>
    %dot_general3A_202 = arith.constant dense<0.000000e+00> : vector<32x128x1xf32>
    %dot_general3A_203 = tpu.matmul %convert_element_type3A_199, %broadcast_in_dim3A_201, %dot_general3A_202 {dimension_numbers = #tpu.dot_dimension_numbers<[2], [1], [1], [2], [0, 0, 0, 1, 1, 2], [0], [0]>, transpose_lhs_hint = false} : vector<32x128x128xf32>, vector<32x128x1xf32>, vector<32x128x1xf32> -> vector<32x128x1xf32>
    %iota3A_204 = tpu.iota {dimensions = array<i32: 2>} : vector<32x128x64xi32>
    %convert_element_type3A_205 = arith.fptosi %dot_general3A_203 : vector<32x128x1xf32> to vector<32x128x1xi32>
    %eq3A_206 = vector.broadcast %convert_element_type3A_205 : vector<32x128x1xi32> to vector<32x128x64xi32>
    %eq3A_207 = arith.cmpi eq, %eq3A_206, %iota3A_204 : vector<32x128x64xi32>
    %convert_element_type3A_208 = arith.extui %eq3A_207 : vector<32x128x64xi1> to vector<32x128x64xi32>
    %convert_element_type3A_209 = arith.sitofp %convert_element_type3A_208 : vector<32x128x64xi32> to vector<32x128x64xf32>
    %dot_general3A_210 = arith.constant dense<0.000000e+00> : vector<32x4x64xf32>
    %dot_general3A_211 = tpu.matmul %concatenate3A_182, %convert_element_type3A_209, %dot_general3A_210 {dimension_numbers = #tpu.dot_dimension_numbers<[2], [1], [1], [2], [0, 0, 0, 1, 1, 2], [0], [0]>, precision = #tpu.contract_precision<fp32>, transpose_lhs_hint = false} : vector<32x4x128xf32>, vector<32x128x64xf32>, vector<32x4x64xf32> -> vector<32x4x64xf32>
    %slice3A_212 = vector.extract_strided_slice %dot_general3A_211 {offsets = [0, 0, 0], sizes = [32, 2, 64], strides = [1, 1, 1]} : vector<32x4x64xf32> to vector<32x2x64xf32>
    %slice3A_213 = vector.extract_strided_slice %dot_general3A_211 {offsets = [0, 2, 0], sizes = [32, 2, 64], strides = [1, 1, 1]} : vector<32x4x64xf32> to vector<32x2x64xf32>
    %concatenate3A_214 = tpu.concatenate %slice3A_212, %slice3A_213 in 2 : vector<32x2x64xf32>, vector<32x2x64xf32> -> vector<32x2x128xf32>
    %reduce_max3A_215 = arith.constant dense<0xFF800000> : vector<32x128xf32>
    %reduce_max3A_216 = vector.multi_reduction <maximumf>, %concatenate3A_214, %reduce_max3A_215 [1] : vector<32x2x128xf32> to vector<32x128xf32>
    %broadcast_in_dim3A_217 = vector.shape_cast %reduce_max3A_216 : vector<32x128xf32> to vector<32x128x1xf32>
    %broadcast_in_dim3A_218 = vector.shape_cast %reduce_max3A_216 : vector<32x128xf32> to vector<32x1x128xf32>
    %iota3A_219 = tpu.iota {dimensions = array<i32: 1>} : vector<32x128x128xi32>
    %iota3A_220 = tpu.iota {dimensions = array<i32: 2>} : vector<32x128x128xi32>
    %gt3A_221 = vector.broadcast %broadcast_in_dim3A_218 : vector<32x1x128xf32> to vector<32x128x128xf32>
    %gt3A_222 = vector.broadcast %broadcast_in_dim3A_217 : vector<32x128x1xf32> to vector<32x128x128xf32>
    %gt3A_223 = arith.cmpf ogt, %gt3A_221, %gt3A_222 : vector<32x128x128xf32>
    %eq3A_224 = vector.broadcast %broadcast_in_dim3A_218 : vector<32x1x128xf32> to vector<32x128x128xf32>
    %eq3A_225 = vector.broadcast %broadcast_in_dim3A_217 : vector<32x128x1xf32> to vector<32x128x128xf32>
    %eq3A_226 = arith.cmpf oeq, %eq3A_224, %eq3A_225 : vector<32x128x128xf32>
    %lt3A_227 = arith.cmpi slt, %iota3A_220, %iota3A_219 : vector<32x128x128xi32>
    %and3A_228 = arith.andi %eq3A_226, %lt3A_227 : vector<32x128x128xi1>
    %or3A_229 = arith.ori %gt3A_223, %and3A_228 : vector<32x128x128xi1>
    %convert_element_type3A_230 = arith.extui %or3A_229 : vector<32x128x128xi1> to vector<32x128x128xi32>
    %convert_element_type3A_231 = arith.sitofp %convert_element_type3A_230 : vector<32x128x128xi32> to vector<32x128x128xf32>
    %broadcast_in_dim3A_232 = arith.constant 1.000000e+00 : f32
    %broadcast_in_dim3A_233 = vector.broadcast %broadcast_in_dim3A_232 : f32 to vector<32x128x1xf32>
    %dot_general3A_234 = arith.constant dense<0.000000e+00> : vector<32x128x1xf32>
    %dot_general3A_235 = tpu.matmul %convert_element_type3A_231, %broadcast_in_dim3A_233, %dot_general3A_234 {dimension_numbers = #tpu.dot_dimension_numbers<[2], [1], [1], [2], [0, 0, 0, 1, 1, 2], [0], [0]>, transpose_lhs_hint = false} : vector<32x128x128xf32>, vector<32x128x1xf32>, vector<32x128x1xf32> -> vector<32x128x1xf32>
    %iota3A_236 = tpu.iota {dimensions = array<i32: 2>} : vector<32x128x64xi32>
    %convert_element_type3A_237 = arith.fptosi %dot_general3A_235 : vector<32x128x1xf32> to vector<32x128x1xi32>
    %eq3A_238 = vector.broadcast %convert_element_type3A_237 : vector<32x128x1xi32> to vector<32x128x64xi32>
    %eq3A_239 = arith.cmpi eq, %eq3A_238, %iota3A_236 : vector<32x128x64xi32>
    %convert_element_type3A_240 = arith.extui %eq3A_239 : vector<32x128x64xi1> to vector<32x128x64xi32>
    %convert_element_type3A_241 = arith.sitofp %convert_element_type3A_240 : vector<32x128x64xi32> to vector<32x128x64xf32>
    %dot_general3A_242 = arith.constant dense<0.000000e+00> : vector<32x2x64xf32>
    %dot_general3A_243 = tpu.matmul %concatenate3A_214, %convert_element_type3A_241, %dot_general3A_242 {dimension_numbers = #tpu.dot_dimension_numbers<[2], [1], [1], [2], [0, 0, 0, 1, 1, 2], [0], [0]>, precision = #tpu.contract_precision<fp32>, transpose_lhs_hint = false} : vector<32x2x128xf32>, vector<32x128x64xf32>, vector<32x2x64xf32> -> vector<32x2x64xf32>
    %slice3A_244 = vector.extract_strided_slice %dot_general3A_243 {offsets = [0, 0, 0], sizes = [32, 1, 64], strides = [1, 1, 1]} : vector<32x2x64xf32> to vector<32x1x64xf32>
    %slice3A_245 = vector.extract_strided_slice %dot_general3A_243 {offsets = [0, 1, 0], sizes = [32, 1, 64], strides = [1, 1, 1]} : vector<32x2x64xf32> to vector<32x1x64xf32>
    %concatenate3A_246 = tpu.concatenate %slice3A_244, %slice3A_245 in 2 : vector<32x1x64xf32>, vector<32x1x64xf32> -> vector<32x1x128xf32>
    %reshape3A = vector.shape_cast %concatenate3A_246 : vector<32x1x128xf32> to vector<32x128xf32>
    %iota3A_247 = tpu.iota {dimensions = array<i32: 1>} : vector<32x128xi32>
    %and3A_248 = arith.constant 1 : i32
    %and3A_249 = vector.broadcast %and3A_248 : i32 to vector<32x128xi32>
    %and3A_250 = arith.andi %iota3A_247, %and3A_249 : vector<32x128xi32>
    %eq3A_251 = arith.constant 0 : i32
    %eq3A_252 = vector.broadcast %eq3A_251 : i32 to vector<32x128xi32>
    %eq3A_253 = arith.cmpi eq, %and3A_250, %eq3A_252 : vector<32x128xi32>
    %roll3A = arith.constant 127 : i32
    %roll3A_254 = tpu.dynamic_rotate %reshape3A by %roll3A dim 1 : vector<32x128xf32>, i32 -> vector<32x128xf32>
    %roll3A_255 = arith.constant 1 : i32
    %roll3A_256 = tpu.dynamic_rotate %reshape3A by %roll3A_255 dim 1 : vector<32x128xf32>, i32 -> vector<32x128xf32>
    %select_n3A = arith.select %eq3A_253, %roll3A_254, %roll3A_256 : vector<32x128xi1>, vector<32x128xf32>
    %and3A_257 = arith.constant 2 : i32
    %and3A_258 = vector.broadcast %and3A_257 : i32 to vector<32x128xi32>
    %and3A_259 = arith.andi %iota3A_247, %and3A_258 : vector<32x128xi32>
    %ne3A = arith.constant 0 : i32
    %ne3A_260 = vector.broadcast %ne3A : i32 to vector<32x128xi32>
    %ne3A_261 = arith.cmpi ne, %and3A_259, %ne3A_260 : vector<32x128xi32>
    %xor3A = arith.xori %eq3A_253, %ne3A_261 : vector<32x128xi1>
    %max3A = arith.maximumf %reshape3A, %select_n3A : vector<32x128xf32>
    %min3A = arith.minimumf %reshape3A, %select_n3A : vector<32x128xf32>
    %select_n3A_262 = arith.select %xor3A, %max3A, %min3A : vector<32x128xi1>, vector<32x128xf32>
    %and3A_263 = arith.constant 2 : i32
    %and3A_264 = vector.broadcast %and3A_263 : i32 to vector<32x128xi32>
    %and3A_265 = arith.andi %iota3A_247, %and3A_264 : vector<32x128xi32>
    %eq3A_266 = arith.constant 0 : i32
    %eq3A_267 = vector.broadcast %eq3A_266 : i32 to vector<32x128xi32>
    %eq3A_268 = arith.cmpi eq, %and3A_265, %eq3A_267 : vector<32x128xi32>
    %roll3A_269 = arith.constant 126 : i32
    %roll3A_270 = tpu.dynamic_rotate %select_n3A_262 by %roll3A_269 dim 1 : vector<32x128xf32>, i32 -> vector<32x128xf32>
    %roll3A_271 = arith.constant 2 : i32
    %roll3A_272 = tpu.dynamic_rotate %select_n3A_262 by %roll3A_271 dim 1 : vector<32x128xf32>, i32 -> vector<32x128xf32>
    %select_n3A_273 = arith.select %eq3A_268, %roll3A_270, %roll3A_272 : vector<32x128xi1>, vector<32x128xf32>
    %and3A_274 = arith.constant 4 : i32
    %and3A_275 = vector.broadcast %and3A_274 : i32 to vector<32x128xi32>
    %and3A_276 = arith.andi %iota3A_247, %and3A_275 : vector<32x128xi32>
    %ne3A_277 = arith.constant 0 : i32
    %ne3A_278 = vector.broadcast %ne3A_277 : i32 to vector<32x128xi32>
    %ne3A_279 = arith.cmpi ne, %and3A_276, %ne3A_278 : vector<32x128xi32>
    %xor3A_280 = arith.xori %eq3A_268, %ne3A_279 : vector<32x128xi1>
    %max3A_281 = arith.maximumf %select_n3A_262, %select_n3A_273 : vector<32x128xf32>
    %min3A_282 = arith.minimumf %select_n3A_262, %select_n3A_273 : vector<32x128xf32>
    %select_n3A_283 = arith.select %xor3A_280, %max3A_281, %min3A_282 : vector<32x128xi1>, vector<32x128xf32>
    %and3A_284 = arith.constant 1 : i32
    %and3A_285 = vector.broadcast %and3A_284 : i32 to vector<32x128xi32>
    %and3A_286 = arith.andi %iota3A_247, %and3A_285 : vector<32x128xi32>
    %eq3A_287 = arith.constant 0 : i32
    %eq3A_288 = vector.broadcast %eq3A_287 : i32 to vector<32x128xi32>
    %eq3A_289 = arith.cmpi eq, %and3A_286, %eq3A_288 : vector<32x128xi32>
    %roll3A_290 = arith.constant 127 : i32
    %roll3A_291 = tpu.dynamic_rotate %select_n3A_283 by %roll3A_290 dim 1 : vector<32x128xf32>, i32 -> vector<32x128xf32>
    %roll3A_292 = arith.constant 1 : i32
    %roll3A_293 = tpu.dynamic_rotate %select_n3A_283 by %roll3A_292 dim 1 : vector<32x128xf32>, i32 -> vector<32x128xf32>
    %select_n3A_294 = arith.select %eq3A_289, %roll3A_291, %roll3A_293 : vector<32x128xi1>, vector<32x128xf32>
    %and3A_295 = arith.constant 4 : i32
    %and3A_296 = vector.broadcast %and3A_295 : i32 to vector<32x128xi32>
    %and3A_297 = arith.andi %iota3A_247, %and3A_296 : vector<32x128xi32>
    %ne3A_298 = arith.constant 0 : i32
    %ne3A_299 = vector.broadcast %ne3A_298 : i32 to vector<32x128xi32>
    %ne3A_300 = arith.cmpi ne, %and3A_297, %ne3A_299 : vector<32x128xi32>
    %xor3A_301 = arith.xori %eq3A_289, %ne3A_300 : vector<32x128xi1>
    %max3A_302 = arith.maximumf %select_n3A_283, %select_n3A_294 : vector<32x128xf32>
    %min3A_303 = arith.minimumf %select_n3A_283, %select_n3A_294 : vector<32x128xf32>
    %select_n3A_304 = arith.select %xor3A_301, %max3A_302, %min3A_303 : vector<32x128xi1>, vector<32x128xf32>
    %and3A_305 = arith.constant 4 : i32
    %and3A_306 = vector.broadcast %and3A_305 : i32 to vector<32x128xi32>
    %and3A_307 = arith.andi %iota3A_247, %and3A_306 : vector<32x128xi32>
    %eq3A_308 = arith.constant 0 : i32
    %eq3A_309 = vector.broadcast %eq3A_308 : i32 to vector<32x128xi32>
    %eq3A_310 = arith.cmpi eq, %and3A_307, %eq3A_309 : vector<32x128xi32>
    %roll3A_311 = arith.constant 124 : i32
    %roll3A_312 = tpu.dynamic_rotate %select_n3A_304 by %roll3A_311 dim 1 : vector<32x128xf32>, i32 -> vector<32x128xf32>
    %roll3A_313 = arith.constant 4 : i32
    %roll3A_314 = tpu.dynamic_rotate %select_n3A_304 by %roll3A_313 dim 1 : vector<32x128xf32>, i32 -> vector<32x128xf32>
    %select_n3A_315 = arith.select %eq3A_310, %roll3A_312, %roll3A_314 : vector<32x128xi1>, vector<32x128xf32>
    %and3A_316 = arith.constant 8 : i32
    %and3A_317 = vector.broadcast %and3A_316 : i32 to vector<32x128xi32>
    %and3A_318 = arith.andi %iota3A_247, %and3A_317 : vector<32x128xi32>
    %ne3A_319 = arith.constant 0 : i32
    %ne3A_320 = vector.broadcast %ne3A_319 : i32 to vector<32x128xi32>
    %ne3A_321 = arith.cmpi ne, %and3A_318, %ne3A_320 : vector<32x128xi32>
    %xor3A_322 = arith.xori %eq3A_310, %ne3A_321 : vector<32x128xi1>
    %max3A_323 = arith.maximumf %select_n3A_304, %select_n3A_315 : vector<32x128xf32>
    %min3A_324 = arith.minimumf %select_n3A_304, %select_n3A_315 : vector<32x128xf32>
    %select_n3A_325 = arith.select %xor3A_322, %max3A_323, %min3A_324 : vector<32x128xi1>, vector<32x128xf32>
    %and3A_326 = arith.constant 2 : i32
    %and3A_327 = vector.broadcast %and3A_326 : i32 to vector<32x128xi32>
    %and3A_328 = arith.andi %iota3A_247, %and3A_327 : vector<32x128xi32>
    %eq3A_329 = arith.constant 0 : i32
    %eq3A_330 = vector.broadcast %eq3A_329 : i32 to vector<32x128xi32>
    %eq3A_331 = arith.cmpi eq, %and3A_328, %eq3A_330 : vector<32x128xi32>
    %roll3A_332 = arith.constant 126 : i32
    %roll3A_333 = tpu.dynamic_rotate %select_n3A_325 by %roll3A_332 dim 1 : vector<32x128xf32>, i32 -> vector<32x128xf32>
    %roll3A_334 = arith.constant 2 : i32
    %roll3A_335 = tpu.dynamic_rotate %select_n3A_325 by %roll3A_334 dim 1 : vector<32x128xf32>, i32 -> vector<32x128xf32>
    %select_n3A_336 = arith.select %eq3A_331, %roll3A_333, %roll3A_335 : vector<32x128xi1>, vector<32x128xf32>
    %and3A_337 = arith.constant 8 : i32
    %and3A_338 = vector.broadcast %and3A_337 : i32 to vector<32x128xi32>
    %and3A_339 = arith.andi %iota3A_247, %and3A_338 : vector<32x128xi32>
    %ne3A_340 = arith.constant 0 : i32
    %ne3A_341 = vector.broadcast %ne3A_340 : i32 to vector<32x128xi32>
    %ne3A_342 = arith.cmpi ne, %and3A_339, %ne3A_341 : vector<32x128xi32>
    %xor3A_343 = arith.xori %eq3A_331, %ne3A_342 : vector<32x128xi1>
    %max3A_344 = arith.maximumf %select_n3A_325, %select_n3A_336 : vector<32x128xf32>
    %min3A_345 = arith.minimumf %select_n3A_325, %select_n3A_336 : vector<32x128xf32>
    %select_n3A_346 = arith.select %xor3A_343, %max3A_344, %min3A_345 : vector<32x128xi1>, vector<32x128xf32>
    %and3A_347 = arith.constant 1 : i32
    %and3A_348 = vector.broadcast %and3A_347 : i32 to vector<32x128xi32>
    %and3A_349 = arith.andi %iota3A_247, %and3A_348 : vector<32x128xi32>
    %eq3A_350 = arith.constant 0 : i32
    %eq3A_351 = vector.broadcast %eq3A_350 : i32 to vector<32x128xi32>
    %eq3A_352 = arith.cmpi eq, %and3A_349, %eq3A_351 : vector<32x128xi32>
    %roll3A_353 = arith.constant 127 : i32
    %roll3A_354 = tpu.dynamic_rotate %select_n3A_346 by %roll3A_353 dim 1 : vector<32x128xf32>, i32 -> vector<32x128xf32>
    %roll3A_355 = arith.constant 1 : i32
    %roll3A_356 = tpu.dynamic_rotate %select_n3A_346 by %roll3A_355 dim 1 : vector<32x128xf32>, i32 -> vector<32x128xf32>
    %select_n3A_357 = arith.select %eq3A_352, %roll3A_354, %roll3A_356 : vector<32x128xi1>, vector<32x128xf32>
    %and3A_358 = arith.constant 8 : i32
    %and3A_359 = vector.broadcast %and3A_358 : i32 to vector<32x128xi32>
    %and3A_360 = arith.andi %iota3A_247, %and3A_359 : vector<32x128xi32>
    %ne3A_361 = arith.constant 0 : i32
    %ne3A_362 = vector.broadcast %ne3A_361 : i32 to vector<32x128xi32>
    %ne3A_363 = arith.cmpi ne, %and3A_360, %ne3A_362 : vector<32x128xi32>
    %xor3A_364 = arith.xori %eq3A_352, %ne3A_363 : vector<32x128xi1>
    %max3A_365 = arith.maximumf %select_n3A_346, %select_n3A_357 : vector<32x128xf32>
    %min3A_366 = arith.minimumf %select_n3A_346, %select_n3A_357 : vector<32x128xf32>
    %select_n3A_367 = arith.select %xor3A_364, %max3A_365, %min3A_366 : vector<32x128xi1>, vector<32x128xf32>
    %and3A_368 = arith.constant 8 : i32
    %and3A_369 = vector.broadcast %and3A_368 : i32 to vector<32x128xi32>
    %and3A_370 = arith.andi %iota3A_247, %and3A_369 : vector<32x128xi32>
    %eq3A_371 = arith.constant 0 : i32
    %eq3A_372 = vector.broadcast %eq3A_371 : i32 to vector<32x128xi32>
    %eq3A_373 = arith.cmpi eq, %and3A_370, %eq3A_372 : vector<32x128xi32>
    %roll3A_374 = arith.constant 120 : i32
    %roll3A_375 = tpu.dynamic_rotate %select_n3A_367 by %roll3A_374 dim 1 : vector<32x128xf32>, i32 -> vector<32x128xf32>
    %roll3A_376 = arith.constant 8 : i32
    %roll3A_377 = tpu.dynamic_rotate %select_n3A_367 by %roll3A_376 dim 1 : vector<32x128xf32>, i32 -> vector<32x128xf32>
    %select_n3A_378 = arith.select %eq3A_373, %roll3A_375, %roll3A_377 : vector<32x128xi1>, vector<32x128xf32>
    %and3A_379 = arith.constant 16 : i32
    %and3A_380 = vector.broadcast %and3A_379 : i32 to vector<32x128xi32>
    %and3A_381 = arith.andi %iota3A_247, %and3A_380 : vector<32x128xi32>
    %ne3A_382 = arith.constant 0 : i32
    %ne3A_383 = vector.broadcast %ne3A_382 : i32 to vector<32x128xi32>
    %ne3A_384 = arith.cmpi ne, %and3A_381, %ne3A_383 : vector<32x128xi32>
    %xor3A_385 = arith.xori %eq3A_373, %ne3A_384 : vector<32x128xi1>
    %max3A_386 = arith.maximumf %select_n3A_367, %select_n3A_378 : vector<32x128xf32>
    %min3A_387 = arith.minimumf %select_n3A_367, %select_n3A_378 : vector<32x128xf32>
    %select_n3A_388 = arith.select %xor3A_385, %max3A_386, %min3A_387 : vector<32x128xi1>, vector<32x128xf32>
    %and3A_389 = arith.constant 4 : i32
    %and3A_390 = vector.broadcast %and3A_389 : i32 to vector<32x128xi32>
    %and3A_391 = arith.andi %iota3A_247, %and3A_390 : vector<32x128xi32>
    %eq3A_392 = arith.constant 0 : i32
    %eq3A_393 = vector.broadcast %eq3A_392 : i32 to vector<32x128xi32>
    %eq3A_394 = arith.cmpi eq, %and3A_391, %eq3A_393 : vector<32x128xi32>
    %roll3A_395 = arith.constant 124 : i32
    %roll3A_396 = tpu.dynamic_rotate %select_n3A_388 by %roll3A_395 dim 1 : vector<32x128xf32>, i32 -> vector<32x128xf32>
    %roll3A_397 = arith.constant 4 : i32
    %roll3A_398 = tpu.dynamic_rotate %select_n3A_388 by %roll3A_397 dim 1 : vector<32x128xf32>, i32 -> vector<32x128xf32>
    %select_n3A_399 = arith.select %eq3A_394, %roll3A_396, %roll3A_398 : vector<32x128xi1>, vector<32x128xf32>
    %and3A_400 = arith.constant 16 : i32
    %and3A_401 = vector.broadcast %and3A_400 : i32 to vector<32x128xi32>
    %and3A_402 = arith.andi %iota3A_247, %and3A_401 : vector<32x128xi32>
    %ne3A_403 = arith.constant 0 : i32
    %ne3A_404 = vector.broadcast %ne3A_403 : i32 to vector<32x128xi32>
    %ne3A_405 = arith.cmpi ne, %and3A_402, %ne3A_404 : vector<32x128xi32>
    %xor3A_406 = arith.xori %eq3A_394, %ne3A_405 : vector<32x128xi1>
    %max3A_407 = arith.maximumf %select_n3A_388, %select_n3A_399 : vector<32x128xf32>
    %min3A_408 = arith.minimumf %select_n3A_388, %select_n3A_399 : vector<32x128xf32>
    %select_n3A_409 = arith.select %xor3A_406, %max3A_407, %min3A_408 : vector<32x128xi1>, vector<32x128xf32>
    %and3A_410 = arith.constant 2 : i32
    %and3A_411 = vector.broadcast %and3A_410 : i32 to vector<32x128xi32>
    %and3A_412 = arith.andi %iota3A_247, %and3A_411 : vector<32x128xi32>
    %eq3A_413 = arith.constant 0 : i32
    %eq3A_414 = vector.broadcast %eq3A_413 : i32 to vector<32x128xi32>
    %eq3A_415 = arith.cmpi eq, %and3A_412, %eq3A_414 : vector<32x128xi32>
    %roll3A_416 = arith.constant 126 : i32
    %roll3A_417 = tpu.dynamic_rotate %select_n3A_409 by %roll3A_416 dim 1 : vector<32x128xf32>, i32 -> vector<32x128xf32>
    %roll3A_418 = arith.constant 2 : i32
    %roll3A_419 = tpu.dynamic_rotate %select_n3A_409 by %roll3A_418 dim 1 : vector<32x128xf32>, i32 -> vector<32x128xf32>
    %select_n3A_420 = arith.select %eq3A_415, %roll3A_417, %roll3A_419 : vector<32x128xi1>, vector<32x128xf32>
    %and3A_421 = arith.constant 16 : i32
    %and3A_422 = vector.broadcast %and3A_421 : i32 to vector<32x128xi32>
    %and3A_423 = arith.andi %iota3A_247, %and3A_422 : vector<32x128xi32>
    %ne3A_424 = arith.constant 0 : i32
    %ne3A_425 = vector.broadcast %ne3A_424 : i32 to vector<32x128xi32>
    %ne3A_426 = arith.cmpi ne, %and3A_423, %ne3A_425 : vector<32x128xi32>
    %xor3A_427 = arith.xori %eq3A_415, %ne3A_426 : vector<32x128xi1>
    %max3A_428 = arith.maximumf %select_n3A_409, %select_n3A_420 : vector<32x128xf32>
    %min3A_429 = arith.minimumf %select_n3A_409, %select_n3A_420 : vector<32x128xf32>
    %select_n3A_430 = arith.select %xor3A_427, %max3A_428, %min3A_429 : vector<32x128xi1>, vector<32x128xf32>
    %and3A_431 = arith.constant 1 : i32
    %and3A_432 = vector.broadcast %and3A_431 : i32 to vector<32x128xi32>
    %and3A_433 = arith.andi %iota3A_247, %and3A_432 : vector<32x128xi32>
    %eq3A_434 = arith.constant 0 : i32
    %eq3A_435 = vector.broadcast %eq3A_434 : i32 to vector<32x128xi32>
    %eq3A_436 = arith.cmpi eq, %and3A_433, %eq3A_435 : vector<32x128xi32>
    %roll3A_437 = arith.constant 127 : i32
    %roll3A_438 = tpu.dynamic_rotate %select_n3A_430 by %roll3A_437 dim 1 : vector<32x128xf32>, i32 -> vector<32x128xf32>
    %roll3A_439 = arith.constant 1 : i32
    %roll3A_440 = tpu.dynamic_rotate %select_n3A_430 by %roll3A_439 dim 1 : vector<32x128xf32>, i32 -> vector<32x128xf32>
    %select_n3A_441 = arith.select %eq3A_436, %roll3A_438, %roll3A_440 : vector<32x128xi1>, vector<32x128xf32>
    %and3A_442 = arith.constant 16 : i32
    %and3A_443 = vector.broadcast %and3A_442 : i32 to vector<32x128xi32>
    %and3A_444 = arith.andi %iota3A_247, %and3A_443 : vector<32x128xi32>
    %ne3A_445 = arith.constant 0 : i32
    %ne3A_446 = vector.broadcast %ne3A_445 : i32 to vector<32x128xi32>
    %ne3A_447 = arith.cmpi ne, %and3A_444, %ne3A_446 : vector<32x128xi32>
    %xor3A_448 = arith.xori %eq3A_436, %ne3A_447 : vector<32x128xi1>
    %max3A_449 = arith.maximumf %select_n3A_430, %select_n3A_441 : vector<32x128xf32>
    %min3A_450 = arith.minimumf %select_n3A_430, %select_n3A_441 : vector<32x128xf32>
    %select_n3A_451 = arith.select %xor3A_448, %max3A_449, %min3A_450 : vector<32x128xi1>, vector<32x128xf32>
    %and3A_452 = arith.constant 16 : i32
    %and3A_453 = vector.broadcast %and3A_452 : i32 to vector<32x128xi32>
    %and3A_454 = arith.andi %iota3A_247, %and3A_453 : vector<32x128xi32>
    %eq3A_455 = arith.constant 0 : i32
    %eq3A_456 = vector.broadcast %eq3A_455 : i32 to vector<32x128xi32>
    %eq3A_457 = arith.cmpi eq, %and3A_454, %eq3A_456 : vector<32x128xi32>
    %roll3A_458 = arith.constant 112 : i32
    %roll3A_459 = tpu.dynamic_rotate %select_n3A_451 by %roll3A_458 dim 1 : vector<32x128xf32>, i32 -> vector<32x128xf32>
    %roll3A_460 = arith.constant 16 : i32
    %roll3A_461 = tpu.dynamic_rotate %select_n3A_451 by %roll3A_460 dim 1 : vector<32x128xf32>, i32 -> vector<32x128xf32>
    %select_n3A_462 = arith.select %eq3A_457, %roll3A_459, %roll3A_461 : vector<32x128xi1>, vector<32x128xf32>
    %and3A_463 = arith.constant 32 : i32
    %and3A_464 = vector.broadcast %and3A_463 : i32 to vector<32x128xi32>
    %and3A_465 = arith.andi %iota3A_247, %and3A_464 : vector<32x128xi32>
    %ne3A_466 = arith.constant 0 : i32
    %ne3A_467 = vector.broadcast %ne3A_466 : i32 to vector<32x128xi32>
    %ne3A_468 = arith.cmpi ne, %and3A_465, %ne3A_467 : vector<32x128xi32>
    %xor3A_469 = arith.xori %eq3A_457, %ne3A_468 : vector<32x128xi1>
    %max3A_470 = arith.maximumf %select_n3A_451, %select_n3A_462 : vector<32x128xf32>
    %min3A_471 = arith.minimumf %select_n3A_451, %select_n3A_462 : vector<32x128xf32>
    %select_n3A_472 = arith.select %xor3A_469, %max3A_470, %min3A_471 : vector<32x128xi1>, vector<32x128xf32>
    %and3A_473 = arith.constant 8 : i32
    %and3A_474 = vector.broadcast %and3A_473 : i32 to vector<32x128xi32>
    %and3A_475 = arith.andi %iota3A_247, %and3A_474 : vector<32x128xi32>
    %eq3A_476 = arith.constant 0 : i32
    %eq3A_477 = vector.broadcast %eq3A_476 : i32 to vector<32x128xi32>
    %eq3A_478 = arith.cmpi eq, %and3A_475, %eq3A_477 : vector<32x128xi32>
    %roll3A_479 = arith.constant 120 : i32
    %roll3A_480 = tpu.dynamic_rotate %select_n3A_472 by %roll3A_479 dim 1 : vector<32x128xf32>, i32 -> vector<32x128xf32>
    %roll3A_481 = arith.constant 8 : i32
    %roll3A_482 = tpu.dynamic_rotate %select_n3A_472 by %roll3A_481 dim 1 : vector<32x128xf32>, i32 -> vector<32x128xf32>
    %select_n3A_483 = arith.select %eq3A_478, %roll3A_480, %roll3A_482 : vector<32x128xi1>, vector<32x128xf32>
    %and3A_484 = arith.constant 32 : i32
    %and3A_485 = vector.broadcast %and3A_484 : i32 to vector<32x128xi32>
    %and3A_486 = arith.andi %iota3A_247, %and3A_485 : vector<32x128xi32>
    %ne3A_487 = arith.constant 0 : i32
    %ne3A_488 = vector.broadcast %ne3A_487 : i32 to vector<32x128xi32>
    %ne3A_489 = arith.cmpi ne, %and3A_486, %ne3A_488 : vector<32x128xi32>
    %xor3A_490 = arith.xori %eq3A_478, %ne3A_489 : vector<32x128xi1>
    %max3A_491 = arith.maximumf %select_n3A_472, %select_n3A_483 : vector<32x128xf32>
    %min3A_492 = arith.minimumf %select_n3A_472, %select_n3A_483 : vector<32x128xf32>
    %select_n3A_493 = arith.select %xor3A_490, %max3A_491, %min3A_492 : vector<32x128xi1>, vector<32x128xf32>
    %and3A_494 = arith.constant 4 : i32
    %and3A_495 = vector.broadcast %and3A_494 : i32 to vector<32x128xi32>
    %and3A_496 = arith.andi %iota3A_247, %and3A_495 : vector<32x128xi32>
    %eq3A_497 = arith.constant 0 : i32
    %eq3A_498 = vector.broadcast %eq3A_497 : i32 to vector<32x128xi32>
    %eq3A_499 = arith.cmpi eq, %and3A_496, %eq3A_498 : vector<32x128xi32>
    %roll3A_500 = arith.constant 124 : i32
    %roll3A_501 = tpu.dynamic_rotate %select_n3A_493 by %roll3A_500 dim 1 : vector<32x128xf32>, i32 -> vector<32x128xf32>
    %roll3A_502 = arith.constant 4 : i32
    %roll3A_503 = tpu.dynamic_rotate %select_n3A_493 by %roll3A_502 dim 1 : vector<32x128xf32>, i32 -> vector<32x128xf32>
    %select_n3A_504 = arith.select %eq3A_499, %roll3A_501, %roll3A_503 : vector<32x128xi1>, vector<32x128xf32>
    %and3A_505 = arith.constant 32 : i32
    %and3A_506 = vector.broadcast %and3A_505 : i32 to vector<32x128xi32>
    %and3A_507 = arith.andi %iota3A_247, %and3A_506 : vector<32x128xi32>
    %ne3A_508 = arith.constant 0 : i32
    %ne3A_509 = vector.broadcast %ne3A_508 : i32 to vector<32x128xi32>
    %ne3A_510 = arith.cmpi ne, %and3A_507, %ne3A_509 : vector<32x128xi32>
    %xor3A_511 = arith.xori %eq3A_499, %ne3A_510 : vector<32x128xi1>
    %max3A_512 = arith.maximumf %select_n3A_493, %select_n3A_504 : vector<32x128xf32>
    %min3A_513 = arith.minimumf %select_n3A_493, %select_n3A_504 : vector<32x128xf32>
    %select_n3A_514 = arith.select %xor3A_511, %max3A_512, %min3A_513 : vector<32x128xi1>, vector<32x128xf32>
    %and3A_515 = arith.constant 2 : i32
    %and3A_516 = vector.broadcast %and3A_515 : i32 to vector<32x128xi32>
    %and3A_517 = arith.andi %iota3A_247, %and3A_516 : vector<32x128xi32>
    %eq3A_518 = arith.constant 0 : i32
    %eq3A_519 = vector.broadcast %eq3A_518 : i32 to vector<32x128xi32>
    %eq3A_520 = arith.cmpi eq, %and3A_517, %eq3A_519 : vector<32x128xi32>
    %roll3A_521 = arith.constant 126 : i32
    %roll3A_522 = tpu.dynamic_rotate %select_n3A_514 by %roll3A_521 dim 1 : vector<32x128xf32>, i32 -> vector<32x128xf32>
    %roll3A_523 = arith.constant 2 : i32
    %roll3A_524 = tpu.dynamic_rotate %select_n3A_514 by %roll3A_523 dim 1 : vector<32x128xf32>, i32 -> vector<32x128xf32>
    %select_n3A_525 = arith.select %eq3A_520, %roll3A_522, %roll3A_524 : vector<32x128xi1>, vector<32x128xf32>
    %and3A_526 = arith.constant 32 : i32
    %and3A_527 = vector.broadcast %and3A_526 : i32 to vector<32x128xi32>
    %and3A_528 = arith.andi %iota3A_247, %and3A_527 : vector<32x128xi32>
    %ne3A_529 = arith.constant 0 : i32
    %ne3A_530 = vector.broadcast %ne3A_529 : i32 to vector<32x128xi32>
    %ne3A_531 = arith.cmpi ne, %and3A_528, %ne3A_530 : vector<32x128xi32>
    %xor3A_532 = arith.xori %eq3A_520, %ne3A_531 : vector<32x128xi1>
    %max3A_533 = arith.maximumf %select_n3A_514, %select_n3A_525 : vector<32x128xf32>
    %min3A_534 = arith.minimumf %select_n3A_514, %select_n3A_525 : vector<32x128xf32>
    %select_n3A_535 = arith.select %xor3A_532, %max3A_533, %min3A_534 : vector<32x128xi1>, vector<32x128xf32>
    %and3A_536 = arith.constant 1 : i32
    %and3A_537 = vector.broadcast %and3A_536 : i32 to vector<32x128xi32>
    %and3A_538 = arith.andi %iota3A_247, %and3A_537 : vector<32x128xi32>
    %eq3A_539 = arith.constant 0 : i32
    %eq3A_540 = vector.broadcast %eq3A_539 : i32 to vector<32x128xi32>
    %eq3A_541 = arith.cmpi eq, %and3A_538, %eq3A_540 : vector<32x128xi32>
    %roll3A_542 = arith.constant 127 : i32
    %roll3A_543 = tpu.dynamic_rotate %select_n3A_535 by %roll3A_542 dim 1 : vector<32x128xf32>, i32 -> vector<32x128xf32>
    %roll3A_544 = arith.constant 1 : i32
    %roll3A_545 = tpu.dynamic_rotate %select_n3A_535 by %roll3A_544 dim 1 : vector<32x128xf32>, i32 -> vector<32x128xf32>
    %select_n3A_546 = arith.select %eq3A_541, %roll3A_543, %roll3A_545 : vector<32x128xi1>, vector<32x128xf32>
    %and3A_547 = arith.constant 32 : i32
    %and3A_548 = vector.broadcast %and3A_547 : i32 to vector<32x128xi32>
    %and3A_549 = arith.andi %iota3A_247, %and3A_548 : vector<32x128xi32>
    %ne3A_550 = arith.constant 0 : i32
    %ne3A_551 = vector.broadcast %ne3A_550 : i32 to vector<32x128xi32>
    %ne3A_552 = arith.cmpi ne, %and3A_549, %ne3A_551 : vector<32x128xi32>
    %xor3A_553 = arith.xori %eq3A_541, %ne3A_552 : vector<32x128xi1>
    %max3A_554 = arith.maximumf %select_n3A_535, %select_n3A_546 : vector<32x128xf32>
    %min3A_555 = arith.minimumf %select_n3A_535, %select_n3A_546 : vector<32x128xf32>
    %select_n3A_556 = arith.select %xor3A_553, %max3A_554, %min3A_555 : vector<32x128xi1>, vector<32x128xf32>
    %and3A_557 = arith.constant 32 : i32
    %and3A_558 = vector.broadcast %and3A_557 : i32 to vector<32x128xi32>
    %and3A_559 = arith.andi %iota3A_247, %and3A_558 : vector<32x128xi32>
    %eq3A_560 = arith.constant 0 : i32
    %eq3A_561 = vector.broadcast %eq3A_560 : i32 to vector<32x128xi32>
    %eq3A_562 = arith.cmpi eq, %and3A_559, %eq3A_561 : vector<32x128xi32>
    %roll3A_563 = arith.constant 96 : i32
    %roll3A_564 = tpu.dynamic_rotate %select_n3A_556 by %roll3A_563 dim 1 : vector<32x128xf32>, i32 -> vector<32x128xf32>
    %roll3A_565 = arith.constant 32 : i32
    %roll3A_566 = tpu.dynamic_rotate %select_n3A_556 by %roll3A_565 dim 1 : vector<32x128xf32>, i32 -> vector<32x128xf32>
    %select_n3A_567 = arith.select %eq3A_562, %roll3A_564, %roll3A_566 : vector<32x128xi1>, vector<32x128xf32>
    %and3A_568 = arith.constant 64 : i32
    %and3A_569 = vector.broadcast %and3A_568 : i32 to vector<32x128xi32>
    %and3A_570 = arith.andi %iota3A_247, %and3A_569 : vector<32x128xi32>
    %ne3A_571 = arith.constant 0 : i32
    %ne3A_572 = vector.broadcast %ne3A_571 : i32 to vector<32x128xi32>
    %ne3A_573 = arith.cmpi ne, %and3A_570, %ne3A_572 : vector<32x128xi32>
    %xor3A_574 = arith.xori %eq3A_562, %ne3A_573 : vector<32x128xi1>
    %max3A_575 = arith.maximumf %select_n3A_556, %select_n3A_567 : vector<32x128xf32>
    %min3A_576 = arith.minimumf %select_n3A_556, %select_n3A_567 : vector<32x128xf32>
    %select_n3A_577 = arith.select %xor3A_574, %max3A_575, %min3A_576 : vector<32x128xi1>, vector<32x128xf32>
    %and3A_578 = arith.constant 16 : i32
    %and3A_579 = vector.broadcast %and3A_578 : i32 to vector<32x128xi32>
    %and3A_580 = arith.andi %iota3A_247, %and3A_579 : vector<32x128xi32>
    %eq3A_581 = arith.constant 0 : i32
    %eq3A_582 = vector.broadcast %eq3A_581 : i32 to vector<32x128xi32>
    %eq3A_583 = arith.cmpi eq, %and3A_580, %eq3A_582 : vector<32x128xi32>
    %roll3A_584 = arith.constant 112 : i32
    %roll3A_585 = tpu.dynamic_rotate %select_n3A_577 by %roll3A_584 dim 1 : vector<32x128xf32>, i32 -> vector<32x128xf32>
    %roll3A_586 = arith.constant 16 : i32
    %roll3A_587 = tpu.dynamic_rotate %select_n3A_577 by %roll3A_586 dim 1 : vector<32x128xf32>, i32 -> vector<32x128xf32>
    %select_n3A_588 = arith.select %eq3A_583, %roll3A_585, %roll3A_587 : vector<32x128xi1>, vector<32x128xf32>
    %and3A_589 = arith.constant 64 : i32
    %and3A_590 = vector.broadcast %and3A_589 : i32 to vector<32x128xi32>
    %and3A_591 = arith.andi %iota3A_247, %and3A_590 : vector<32x128xi32>
    %ne3A_592 = arith.constant 0 : i32
    %ne3A_593 = vector.broadcast %ne3A_592 : i32 to vector<32x128xi32>
    %ne3A_594 = arith.cmpi ne, %and3A_591, %ne3A_593 : vector<32x128xi32>
    %xor3A_595 = arith.xori %eq3A_583, %ne3A_594 : vector<32x128xi1>
    %max3A_596 = arith.maximumf %select_n3A_577, %select_n3A_588 : vector<32x128xf32>
    %min3A_597 = arith.minimumf %select_n3A_577, %select_n3A_588 : vector<32x128xf32>
    %select_n3A_598 = arith.select %xor3A_595, %max3A_596, %min3A_597 : vector<32x128xi1>, vector<32x128xf32>
    %and3A_599 = arith.constant 8 : i32
    %and3A_600 = vector.broadcast %and3A_599 : i32 to vector<32x128xi32>
    %and3A_601 = arith.andi %iota3A_247, %and3A_600 : vector<32x128xi32>
    %eq3A_602 = arith.constant 0 : i32
    %eq3A_603 = vector.broadcast %eq3A_602 : i32 to vector<32x128xi32>
    %eq3A_604 = arith.cmpi eq, %and3A_601, %eq3A_603 : vector<32x128xi32>
    %roll3A_605 = arith.constant 120 : i32
    %roll3A_606 = tpu.dynamic_rotate %select_n3A_598 by %roll3A_605 dim 1 : vector<32x128xf32>, i32 -> vector<32x128xf32>
    %roll3A_607 = arith.constant 8 : i32
    %roll3A_608 = tpu.dynamic_rotate %select_n3A_598 by %roll3A_607 dim 1 : vector<32x128xf32>, i32 -> vector<32x128xf32>
    %select_n3A_609 = arith.select %eq3A_604, %roll3A_606, %roll3A_608 : vector<32x128xi1>, vector<32x128xf32>
    %and3A_610 = arith.constant 64 : i32
    %and3A_611 = vector.broadcast %and3A_610 : i32 to vector<32x128xi32>
    %and3A_612 = arith.andi %iota3A_247, %and3A_611 : vector<32x128xi32>
    %ne3A_613 = arith.constant 0 : i32
    %ne3A_614 = vector.broadcast %ne3A_613 : i32 to vector<32x128xi32>
    %ne3A_615 = arith.cmpi ne, %and3A_612, %ne3A_614 : vector<32x128xi32>
    %xor3A_616 = arith.xori %eq3A_604, %ne3A_615 : vector<32x128xi1>
    %max3A_617 = arith.maximumf %select_n3A_598, %select_n3A_609 : vector<32x128xf32>
    %min3A_618 = arith.minimumf %select_n3A_598, %select_n3A_609 : vector<32x128xf32>
    %select_n3A_619 = arith.select %xor3A_616, %max3A_617, %min3A_618 : vector<32x128xi1>, vector<32x128xf32>
    %and3A_620 = arith.constant 4 : i32
    %and3A_621 = vector.broadcast %and3A_620 : i32 to vector<32x128xi32>
    %and3A_622 = arith.andi %iota3A_247, %and3A_621 : vector<32x128xi32>
    %eq3A_623 = arith.constant 0 : i32
    %eq3A_624 = vector.broadcast %eq3A_623 : i32 to vector<32x128xi32>
    %eq3A_625 = arith.cmpi eq, %and3A_622, %eq3A_624 : vector<32x128xi32>
    %roll3A_626 = arith.constant 124 : i32
    %roll3A_627 = tpu.dynamic_rotate %select_n3A_619 by %roll3A_626 dim 1 : vector<32x128xf32>, i32 -> vector<32x128xf32>
    %roll3A_628 = arith.constant 4 : i32
    %roll3A_629 = tpu.dynamic_rotate %select_n3A_619 by %roll3A_628 dim 1 : vector<32x128xf32>, i32 -> vector<32x128xf32>
    %select_n3A_630 = arith.select %eq3A_625, %roll3A_627, %roll3A_629 : vector<32x128xi1>, vector<32x128xf32>
    %and3A_631 = arith.constant 64 : i32
    %and3A_632 = vector.broadcast %and3A_631 : i32 to vector<32x128xi32>
    %and3A_633 = arith.andi %iota3A_247, %and3A_632 : vector<32x128xi32>
    %ne3A_634 = arith.constant 0 : i32
    %ne3A_635 = vector.broadcast %ne3A_634 : i32 to vector<32x128xi32>
    %ne3A_636 = arith.cmpi ne, %and3A_633, %ne3A_635 : vector<32x128xi32>
    %xor3A_637 = arith.xori %eq3A_625, %ne3A_636 : vector<32x128xi1>
    %max3A_638 = arith.maximumf %select_n3A_619, %select_n3A_630 : vector<32x128xf32>
    %min3A_639 = arith.minimumf %select_n3A_619, %select_n3A_630 : vector<32x128xf32>
    %select_n3A_640 = arith.select %xor3A_637, %max3A_638, %min3A_639 : vector<32x128xi1>, vector<32x128xf32>
    %and3A_641 = arith.constant 2 : i32
    %and3A_642 = vector.broadcast %and3A_641 : i32 to vector<32x128xi32>
    %and3A_643 = arith.andi %iota3A_247, %and3A_642 : vector<32x128xi32>
    %eq3A_644 = arith.constant 0 : i32
    %eq3A_645 = vector.broadcast %eq3A_644 : i32 to vector<32x128xi32>
    %eq3A_646 = arith.cmpi eq, %and3A_643, %eq3A_645 : vector<32x128xi32>
    %roll3A_647 = arith.constant 126 : i32
    %roll3A_648 = tpu.dynamic_rotate %select_n3A_640 by %roll3A_647 dim 1 : vector<32x128xf32>, i32 -> vector<32x128xf32>
    %roll3A_649 = arith.constant 2 : i32
    %roll3A_650 = tpu.dynamic_rotate %select_n3A_640 by %roll3A_649 dim 1 : vector<32x128xf32>, i32 -> vector<32x128xf32>
    %select_n3A_651 = arith.select %eq3A_646, %roll3A_648, %roll3A_650 : vector<32x128xi1>, vector<32x128xf32>
    %and3A_652 = arith.constant 64 : i32
    %and3A_653 = vector.broadcast %and3A_652 : i32 to vector<32x128xi32>
    %and3A_654 = arith.andi %iota3A_247, %and3A_653 : vector<32x128xi32>
    %ne3A_655 = arith.constant 0 : i32
    %ne3A_656 = vector.broadcast %ne3A_655 : i32 to vector<32x128xi32>
    %ne3A_657 = arith.cmpi ne, %and3A_654, %ne3A_656 : vector<32x128xi32>
    %xor3A_658 = arith.xori %eq3A_646, %ne3A_657 : vector<32x128xi1>
    %max3A_659 = arith.maximumf %select_n3A_640, %select_n3A_651 : vector<32x128xf32>
    %min3A_660 = arith.minimumf %select_n3A_640, %select_n3A_651 : vector<32x128xf32>
    %select_n3A_661 = arith.select %xor3A_658, %max3A_659, %min3A_660 : vector<32x128xi1>, vector<32x128xf32>
    %and3A_662 = arith.constant 1 : i32
    %and3A_663 = vector.broadcast %and3A_662 : i32 to vector<32x128xi32>
    %and3A_664 = arith.andi %iota3A_247, %and3A_663 : vector<32x128xi32>
    %eq3A_665 = arith.constant 0 : i32
    %eq3A_666 = vector.broadcast %eq3A_665 : i32 to vector<32x128xi32>
    %eq3A_667 = arith.cmpi eq, %and3A_664, %eq3A_666 : vector<32x128xi32>
    %roll3A_668 = arith.constant 127 : i32
    %roll3A_669 = tpu.dynamic_rotate %select_n3A_661 by %roll3A_668 dim 1 : vector<32x128xf32>, i32 -> vector<32x128xf32>
    %roll3A_670 = arith.constant 1 : i32
    %roll3A_671 = tpu.dynamic_rotate %select_n3A_661 by %roll3A_670 dim 1 : vector<32x128xf32>, i32 -> vector<32x128xf32>
    %select_n3A_672 = arith.select %eq3A_667, %roll3A_669, %roll3A_671 : vector<32x128xi1>, vector<32x128xf32>
    %and3A_673 = arith.constant 64 : i32
    %and3A_674 = vector.broadcast %and3A_673 : i32 to vector<32x128xi32>
    %and3A_675 = arith.andi %iota3A_247, %and3A_674 : vector<32x128xi32>
    %ne3A_676 = arith.constant 0 : i32
    %ne3A_677 = vector.broadcast %ne3A_676 : i32 to vector<32x128xi32>
    %ne3A_678 = arith.cmpi ne, %and3A_675, %ne3A_677 : vector<32x128xi32>
    %xor3A_679 = arith.xori %eq3A_667, %ne3A_678 : vector<32x128xi1>
    %max3A_680 = arith.maximumf %select_n3A_661, %select_n3A_672 : vector<32x128xf32>
    %min3A_681 = arith.minimumf %select_n3A_661, %select_n3A_672 : vector<32x128xf32>
    %select_n3A_682 = arith.select %xor3A_679, %max3A_680, %min3A_681 : vector<32x128xi1>, vector<32x128xf32>
    %and3A_683 = arith.constant 64 : i32
    %and3A_684 = vector.broadcast %and3A_683 : i32 to vector<32x128xi32>
    %and3A_685 = arith.andi %iota3A_247, %and3A_684 : vector<32x128xi32>
    %eq3A_686 = arith.constant 0 : i32
    %eq3A_687 = vector.broadcast %eq3A_686 : i32 to vector<32x128xi32>
    %eq3A_688 = arith.cmpi eq, %and3A_685, %eq3A_687 : vector<32x128xi32>
    %roll3A_689 = arith.constant 64 : i32
    %roll3A_690 = tpu.dynamic_rotate %select_n3A_682 by %roll3A_689 dim 1 : vector<32x128xf32>, i32 -> vector<32x128xf32>
    %roll3A_691 = arith.constant 64 : i32
    %roll3A_692 = tpu.dynamic_rotate %select_n3A_682 by %roll3A_691 dim 1 : vector<32x128xf32>, i32 -> vector<32x128xf32>
    %select_n3A_693 = arith.select %eq3A_688, %roll3A_690, %roll3A_692 : vector<32x128xi1>, vector<32x128xf32>
    %and3A_694 = arith.constant 128 : i32
    %and3A_695 = vector.broadcast %and3A_694 : i32 to vector<32x128xi32>
    %and3A_696 = arith.andi %iota3A_247, %and3A_695 : vector<32x128xi32>
    %ne3A_697 = arith.constant 0 : i32
    %ne3A_698 = vector.broadcast %ne3A_697 : i32 to vector<32x128xi32>
    %ne3A_699 = arith.cmpi ne, %and3A_696, %ne3A_698 : vector<32x128xi32>
    %xor3A_700 = arith.xori %eq3A_688, %ne3A_699 : vector<32x128xi1>
    %max3A_701 = arith.maximumf %select_n3A_682, %select_n3A_693 : vector<32x128xf32>
    %min3A_702 = arith.minimumf %select_n3A_682, %select_n3A_693 : vector<32x128xf32>
    %select_n3A_703 = arith.select %xor3A_700, %max3A_701, %min3A_702 : vector<32x128xi1>, vector<32x128xf32>
    %and3A_704 = arith.constant 32 : i32
    %and3A_705 = vector.broadcast %and3A_704 : i32 to vector<32x128xi32>
    %and3A_706 = arith.andi %iota3A_247, %and3A_705 : vector<32x128xi32>
    %eq3A_707 = arith.constant 0 : i32
    %eq3A_708 = vector.broadcast %eq3A_707 : i32 to vector<32x128xi32>
    %eq3A_709 = arith.cmpi eq, %and3A_706, %eq3A_708 : vector<32x128xi32>
    %roll3A_710 = arith.constant 96 : i32
    %roll3A_711 = tpu.dynamic_rotate %select_n3A_703 by %roll3A_710 dim 1 : vector<32x128xf32>, i32 -> vector<32x128xf32>
    %roll3A_712 = arith.constant 32 : i32
    %roll3A_713 = tpu.dynamic_rotate %select_n3A_703 by %roll3A_712 dim 1 : vector<32x128xf32>, i32 -> vector<32x128xf32>
    %select_n3A_714 = arith.select %eq3A_709, %roll3A_711, %roll3A_713 : vector<32x128xi1>, vector<32x128xf32>
    %and3A_715 = arith.constant 128 : i32
    %and3A_716 = vector.broadcast %and3A_715 : i32 to vector<32x128xi32>
    %and3A_717 = arith.andi %iota3A_247, %and3A_716 : vector<32x128xi32>
    %ne3A_718 = arith.constant 0 : i32
    %ne3A_719 = vector.broadcast %ne3A_718 : i32 to vector<32x128xi32>
    %ne3A_720 = arith.cmpi ne, %and3A_717, %ne3A_719 : vector<32x128xi32>
    %xor3A_721 = arith.xori %eq3A_709, %ne3A_720 : vector<32x128xi1>
    %max3A_722 = arith.maximumf %select_n3A_703, %select_n3A_714 : vector<32x128xf32>
    %min3A_723 = arith.minimumf %select_n3A_703, %select_n3A_714 : vector<32x128xf32>
    %select_n3A_724 = arith.select %xor3A_721, %max3A_722, %min3A_723 : vector<32x128xi1>, vector<32x128xf32>
    %and3A_725 = arith.constant 16 : i32
    %and3A_726 = vector.broadcast %and3A_725 : i32 to vector<32x128xi32>
    %and3A_727 = arith.andi %iota3A_247, %and3A_726 : vector<32x128xi32>
    %eq3A_728 = arith.constant 0 : i32
    %eq3A_729 = vector.broadcast %eq3A_728 : i32 to vector<32x128xi32>
    %eq3A_730 = arith.cmpi eq, %and3A_727, %eq3A_729 : vector<32x128xi32>
    %roll3A_731 = arith.constant 112 : i32
    %roll3A_732 = tpu.dynamic_rotate %select_n3A_724 by %roll3A_731 dim 1 : vector<32x128xf32>, i32 -> vector<32x128xf32>
    %roll3A_733 = arith.constant 16 : i32
    %roll3A_734 = tpu.dynamic_rotate %select_n3A_724 by %roll3A_733 dim 1 : vector<32x128xf32>, i32 -> vector<32x128xf32>
    %select_n3A_735 = arith.select %eq3A_730, %roll3A_732, %roll3A_734 : vector<32x128xi1>, vector<32x128xf32>
    %and3A_736 = arith.constant 128 : i32
    %and3A_737 = vector.broadcast %and3A_736 : i32 to vector<32x128xi32>
    %and3A_738 = arith.andi %iota3A_247, %and3A_737 : vector<32x128xi32>
    %ne3A_739 = arith.constant 0 : i32
    %ne3A_740 = vector.broadcast %ne3A_739 : i32 to vector<32x128xi32>
    %ne3A_741 = arith.cmpi ne, %and3A_738, %ne3A_740 : vector<32x128xi32>
    %xor3A_742 = arith.xori %eq3A_730, %ne3A_741 : vector<32x128xi1>
    %max3A_743 = arith.maximumf %select_n3A_724, %select_n3A_735 : vector<32x128xf32>
    %min3A_744 = arith.minimumf %select_n3A_724, %select_n3A_735 : vector<32x128xf32>
    %select_n3A_745 = arith.select %xor3A_742, %max3A_743, %min3A_744 : vector<32x128xi1>, vector<32x128xf32>
    %and3A_746 = arith.constant 8 : i32
    %and3A_747 = vector.broadcast %and3A_746 : i32 to vector<32x128xi32>
    %and3A_748 = arith.andi %iota3A_247, %and3A_747 : vector<32x128xi32>
    %eq3A_749 = arith.constant 0 : i32
    %eq3A_750 = vector.broadcast %eq3A_749 : i32 to vector<32x128xi32>
    %eq3A_751 = arith.cmpi eq, %and3A_748, %eq3A_750 : vector<32x128xi32>
    %roll3A_752 = arith.constant 120 : i32
    %roll3A_753 = tpu.dynamic_rotate %select_n3A_745 by %roll3A_752 dim 1 : vector<32x128xf32>, i32 -> vector<32x128xf32>
    %roll3A_754 = arith.constant 8 : i32
    %roll3A_755 = tpu.dynamic_rotate %select_n3A_745 by %roll3A_754 dim 1 : vector<32x128xf32>, i32 -> vector<32x128xf32>
    %select_n3A_756 = arith.select %eq3A_751, %roll3A_753, %roll3A_755 : vector<32x128xi1>, vector<32x128xf32>
    %and3A_757 = arith.constant 128 : i32
    %and3A_758 = vector.broadcast %and3A_757 : i32 to vector<32x128xi32>
    %and3A_759 = arith.andi %iota3A_247, %and3A_758 : vector<32x128xi32>
    %ne3A_760 = arith.constant 0 : i32
    %ne3A_761 = vector.broadcast %ne3A_760 : i32 to vector<32x128xi32>
    %ne3A_762 = arith.cmpi ne, %and3A_759, %ne3A_761 : vector<32x128xi32>
    %xor3A_763 = arith.xori %eq3A_751, %ne3A_762 : vector<32x128xi1>
    %max3A_764 = arith.maximumf %select_n3A_745, %select_n3A_756 : vector<32x128xf32>
    %min3A_765 = arith.minimumf %select_n3A_745, %select_n3A_756 : vector<32x128xf32>
    %select_n3A_766 = arith.select %xor3A_763, %max3A_764, %min3A_765 : vector<32x128xi1>, vector<32x128xf32>
    %and3A_767 = arith.constant 4 : i32
    %and3A_768 = vector.broadcast %and3A_767 : i32 to vector<32x128xi32>
    %and3A_769 = arith.andi %iota3A_247, %and3A_768 : vector<32x128xi32>
    %eq3A_770 = arith.constant 0 : i32
    %eq3A_771 = vector.broadcast %eq3A_770 : i32 to vector<32x128xi32>
    %eq3A_772 = arith.cmpi eq, %and3A_769, %eq3A_771 : vector<32x128xi32>
    %roll3A_773 = arith.constant 124 : i32
    %roll3A_774 = tpu.dynamic_rotate %select_n3A_766 by %roll3A_773 dim 1 : vector<32x128xf32>, i32 -> vector<32x128xf32>
    %roll3A_775 = arith.constant 4 : i32
    %roll3A_776 = tpu.dynamic_rotate %select_n3A_766 by %roll3A_775 dim 1 : vector<32x128xf32>, i32 -> vector<32x128xf32>
    %select_n3A_777 = arith.select %eq3A_772, %roll3A_774, %roll3A_776 : vector<32x128xi1>, vector<32x128xf32>
    %and3A_778 = arith.constant 128 : i32
    %and3A_779 = vector.broadcast %and3A_778 : i32 to vector<32x128xi32>
    %and3A_780 = arith.andi %iota3A_247, %and3A_779 : vector<32x128xi32>
    %ne3A_781 = arith.constant 0 : i32
    %ne3A_782 = vector.broadcast %ne3A_781 : i32 to vector<32x128xi32>
    %ne3A_783 = arith.cmpi ne, %and3A_780, %ne3A_782 : vector<32x128xi32>
    %xor3A_784 = arith.xori %eq3A_772, %ne3A_783 : vector<32x128xi1>
    %max3A_785 = arith.maximumf %select_n3A_766, %select_n3A_777 : vector<32x128xf32>
    %min3A_786 = arith.minimumf %select_n3A_766, %select_n3A_777 : vector<32x128xf32>
    %select_n3A_787 = arith.select %xor3A_784, %max3A_785, %min3A_786 : vector<32x128xi1>, vector<32x128xf32>
    %and3A_788 = arith.constant 2 : i32
    %and3A_789 = vector.broadcast %and3A_788 : i32 to vector<32x128xi32>
    %and3A_790 = arith.andi %iota3A_247, %and3A_789 : vector<32x128xi32>
    %eq3A_791 = arith.constant 0 : i32
    %eq3A_792 = vector.broadcast %eq3A_791 : i32 to vector<32x128xi32>
    %eq3A_793 = arith.cmpi eq, %and3A_790, %eq3A_792 : vector<32x128xi32>
    %roll3A_794 = arith.constant 126 : i32
    %roll3A_795 = tpu.dynamic_rotate %select_n3A_787 by %roll3A_794 dim 1 : vector<32x128xf32>, i32 -> vector<32x128xf32>
    %roll3A_796 = arith.constant 2 : i32
    %roll3A_797 = tpu.dynamic_rotate %select_n3A_787 by %roll3A_796 dim 1 : vector<32x128xf32>, i32 -> vector<32x128xf32>
    %select_n3A_798 = arith.select %eq3A_793, %roll3A_795, %roll3A_797 : vector<32x128xi1>, vector<32x128xf32>
    %and3A_799 = arith.constant 128 : i32
    %and3A_800 = vector.broadcast %and3A_799 : i32 to vector<32x128xi32>
    %and3A_801 = arith.andi %iota3A_247, %and3A_800 : vector<32x128xi32>
    %ne3A_802 = arith.constant 0 : i32
    %ne3A_803 = vector.broadcast %ne3A_802 : i32 to vector<32x128xi32>
    %ne3A_804 = arith.cmpi ne, %and3A_801, %ne3A_803 : vector<32x128xi32>
    %xor3A_805 = arith.xori %eq3A_793, %ne3A_804 : vector<32x128xi1>
    %max3A_806 = arith.maximumf %select_n3A_787, %select_n3A_798 : vector<32x128xf32>
    %min3A_807 = arith.minimumf %select_n3A_787, %select_n3A_798 : vector<32x128xf32>
    %select_n3A_808 = arith.select %xor3A_805, %max3A_806, %min3A_807 : vector<32x128xi1>, vector<32x128xf32>
    %and3A_809 = arith.constant 1 : i32
    %and3A_810 = vector.broadcast %and3A_809 : i32 to vector<32x128xi32>
    %and3A_811 = arith.andi %iota3A_247, %and3A_810 : vector<32x128xi32>
    %eq3A_812 = arith.constant 0 : i32
    %eq3A_813 = vector.broadcast %eq3A_812 : i32 to vector<32x128xi32>
    %eq3A_814 = arith.cmpi eq, %and3A_811, %eq3A_813 : vector<32x128xi32>
    %roll3A_815 = arith.constant 127 : i32
    %roll3A_816 = tpu.dynamic_rotate %select_n3A_808 by %roll3A_815 dim 1 : vector<32x128xf32>, i32 -> vector<32x128xf32>
    %roll3A_817 = arith.constant 1 : i32
    %roll3A_818 = tpu.dynamic_rotate %select_n3A_808 by %roll3A_817 dim 1 : vector<32x128xf32>, i32 -> vector<32x128xf32>
    %select_n3A_819 = arith.select %eq3A_814, %roll3A_816, %roll3A_818 : vector<32x128xi1>, vector<32x128xf32>
    %and3A_820 = arith.constant 128 : i32
    %and3A_821 = vector.broadcast %and3A_820 : i32 to vector<32x128xi32>
    %and3A_822 = arith.andi %iota3A_247, %and3A_821 : vector<32x128xi32>
    %ne3A_823 = arith.constant 0 : i32
    %ne3A_824 = vector.broadcast %ne3A_823 : i32 to vector<32x128xi32>
    %ne3A_825 = arith.cmpi ne, %and3A_822, %ne3A_824 : vector<32x128xi32>
    %xor3A_826 = arith.xori %eq3A_814, %ne3A_825 : vector<32x128xi1>
    %max3A_827 = arith.maximumf %select_n3A_808, %select_n3A_819 : vector<32x128xf32>
    %min3A_828 = arith.minimumf %select_n3A_808, %select_n3A_819 : vector<32x128xf32>
    %select_n3A_829 = arith.select %xor3A_826, %max3A_827, %min3A_828 : vector<32x128xi1>, vector<32x128xf32>
    %slice3A_830 = vector.extract_strided_slice %select_n3A_829 {offsets = [0, 0], sizes = [32, 64], strides = [1, 1]} : vector<32x128xf32> to vector<32x64xf32>
    %swap3A = arith.constant 0 : index
    %swap3A_831 = arith.constant 0 : index
    %swap3A_832 = vector.load %arg2[%swap3A, %swap3A_831] : memref<32x64xf32, #tpu.memory_space<vmem>>, vector<32x64xf32>
    tpu.vector_store %arg2[%swap3A, %swap3A_831], %slice3A_830 {strides = array<i32>} : memref<32x64xf32, #tpu.memory_space<vmem>>, vector<32x64xf32>,
    return
  }
  func.func @transform_0(%arg0: i32) -> (i32, i32, i32) {
    %c0_i32 = arith.constant 0 : i32
    %c0_i32_0 = arith.constant 0 : i32
    %c0_i32_1 = arith.constant 0 : i32
    return %arg0, %c0_i32, %c0_i32_0 : i32, i32, i32
  }
  func.func @transform_1(%arg0: i32) -> (i32, i32) {
    %c0_i32 = arith.constant 0 : i32
    %c0_i32_0 = arith.constant 0 : i32
    return %arg0, %c0_i32 : i32, i32
  }
}

</mosaic_0001>

<sc_bundles>
// kernel: sparse-core-data-format-call.cloned.1.call-start
scs
called_computation_lowered:
.L_overlay_start_0:
0x0: {  	s2 =	sld [smem:$0x3FD9]  }
0x1: {  	s3 =	sld [smem:$0x3FFE];
	_ =	sdelay $0x1  }
0x2: {  	s1 =	srdreg.scid  }
0x3: {  	s0 =	sand.u32 $0x1, s1  }
0x4: {  	s18 =	sshll.u32 s0, $0xA;
	s2 =	sadd.s32 s3, s2  }
0x5: {  	s2 =	sadd.s32 s2, s18  }
0x6: {  	[smem:$0x3FC7] =	sst s2  }
0x7: {  	_ = 	snop  }
0x8: {  	s2 =	sld [smem:$0x3FC9];
	(tm) =	ssettm $0x1  }
0x9: {  	s19 =	sld [smem:$0x3FFB];
	_ =	sdelay $0x3  }
0xa: {  	_ =	strace s19  }
0xb: {  	s3 =	sld [smem:$0x3FFC];
	_ =	sdelay $0x3  }
0xc: {  	_ =	strace s3  }
0xd: {  	s3 =	sld [smem:$0x3FFD];
	_ =	sdelay $0x3  }
0xe: {  	_ =	strace s3  }
0xf: {  	_ =	strace $0x8FFFFFFF  }
0x10: {  	s20 =	sld [smem:$0x3FDB];
	_ =	sdelay $0x1  }
0x11: {  	s4 =	simm.s32 $_scs_section_size  }
0x12: {  	s5 =	simm.s32 $_size__tile_overlayer_lowered;
	s6 =	simm.s32 $_tile_overlayer_lowered  }
0x13: {  	s23 =	simm.s32 $0x1BFF;
	s22 =	sshll.u32 s6, $0x1;
	s3 =	sadd.s32 s4, s20  }
0x14: {  	s7 =	simm.s32 $0x0;
	s21 =	sshll.u32 s5, $0x1;
	s5 =	sadd.s32 s22, s3  }
0x15: {  	[timem:s7], [sflag:s23] =	dma.local [hbm:s5], s21  }
0x16: {  	_ =	swait.ge [sflag:s23], s21  }
0x17: {  	s4 =	ssub.s32 $0x0, s21;
	[sflag:s23] =	ssyncset.done $0x0  }
0x18: {  	[sflag:s23] =	ssyncadd.s32 s4;
	_ =	sdelay $0x1  }
0x19: {  	s24 =	simm.s32 $0x1B8B  }
0x1a: {  	_ =	swait.ge [sflag:s24], $0x1  }
0x1b: {  	[sflag:s24] =	ssyncset.done $0x0  }
0x1c: {  	s26 =	simm.s32 $0x1B8E;
	s25 =	sld [smem:$0x3FFE];
	[sflag:s24] =	ssyncadd.s32 $0xFFFFFFFF  }
0x1d: {  	s27 =	simm.s32 $execute0_lowered;
	[smem:$0x3FD2] =	sst s26  }
0x1e: {  	s5 =	sshll.u32 s27, $0x1;
	_ =	strace $0x80000046;
	[dreg:$0x1] =	wrdreg $0xFFFFFFFF  }
0x1f: {  	s28 =	simm.s32 $_size_execute0_lowered;
	s3 =	sadd.s32 s3, s5;
	[dreg:$0x0] =	wrdreg $0x0  }
0x20: {  	s5 =	sshll.u32 s28, $0x1;
	[dreg:$0x2] =	wrdreg s3  }
0x21: {  	[dreg:$0x3] =	wrdreg s5  }
0x22: {  	[dreg:$0x4] =	wrdreg $0xC0  }
0x23: {  	_ =	task [dreg:s7], $0x5FFFF  }
0x24: {  	[dreg:$0x1] =	wrdreg $0xFFFFFFFF  }
0x25: {  	[dreg:$0x0] =	wrdreg $0x60  }
0x26: {  	[dreg:$0x2] =	wrdreg s2  }
0x27: {  	[dreg:$0x3] =	wrdreg s25  }
0x28: {  	[dreg:$0x4] =	wrdreg $0x9  }
0x29: {  	_ =	task.clear_ibuf [dreg:s7], $0x5FFFF;
	_ =	strace $0x90000046  }
0x2a: {  	s29 =	simm.s32 $0x9;
	_ =	strace $0x80000048  }
0x2b: {  	_ =	swait.ge [sflag:s29], $0x1  }
0x2c: {  	[sflag:s29] =	ssyncadd.s32 $0xFFFFFFFF  }
0x2d: {  	_ =	strace $0x90000048  }
0x2e: {  	_ =	sfence  }
0x2f: {  	s30 =	sld [smem:$0x0];
	_ =	sdelay $0x2  }
0x30: {  	s31 =	sshll.u32 s1, $0xD;
	s1 =	sshrl.u32 s1, $0x2  }
0x31: {  	s3 =	sand.u32 $0x4000, s31;
	s1 =	sadd.s32 s1, s30  }
0x32: {  	s0 =	sor.u32 s3, s0;
	s1 =	sshll.u32 s1, $0x11  }
0x33: {  	s0 =	sor.u32 s1, s0  }
0x34: {  	s0 =	sadd.s32 $0x8F2B, s0  }
0x35: {  	[sflag:s0] =	ssyncadd.remote.s32 $0x1  }
0x36: {  	_ =	sfence.sel $0xFFFF  }
0x37: {  	[dreg:$0x0] =	wrdreg $0xFFFFFFFF;
	(pc) =	sbr.abs _section_cstart, $3  }
0x38: {  	[dreg:$0x1] =	wrdreg $0xFFFFFFFF  }
0x39: {  	_ =	task.clear_ibuf [dreg:s7], $0x2FFFF;
	_ =	strace $0x9FFFFFFF  }
0x3a: {  	(tm) =	ssettm $0x7FFFFFFF  }
0x3b: {  	_ =	shalt  }
tec
execute0_lowered:
.L_overlay_start_1:
0x0: {  	(tag) =	ssettag $0x1  }
0x1: {  	s2 =	rddreg [dreg:$0x0]  }
0x2: {  	s1 =	rddreg [dreg:$0x1]  }
0x3: {  	s0 =	rddreg [dreg:$0x2];
	_ =	strace $0x80000047;
	s4 =	srdreg.scid  }
0x4: {  	s6 =	simm.s32 $0x2;
	s11 =	simm.s32 $0x0;
	p0 =	por $0x0, $0x0  }
.Ltmp0:
0x5: {  	s7 =	simm.s32 $0x8000;
	s12 =	simm.s32 $0x0;
	(pc) =	sbr.rel .LBB1_1-.Ltmp0, $4  }
0x6: {  	s9 =	simm.s32 $0x0;
	s3 =	sadd.s32 $0x400, s1;
	s5 =	sshll.u32 s4, $0x4  }
0x7: {  	s1 =	stileid.u32;
	s4 =	simm.s32 $0x1;
	s5 =	sand.u32 $0x10, s5  }
0x8: {  	s8 =	simm.s32 $0x0;
	[sflag:s4] =	ssyncpa.u1 $0x0;
	s5 =	sor.u32 s1, s5  }
0x9: {  	[sflag:s6] =	ssyncpa.u1 $0x0;
	s6 =	simm.s32 $0x800;
	s10 =	smov.u32 s5  }
.LBB1_7:
0xa: {  	s13 =	sadd.s32 $0x10, s9  }
0xb: {  	s11 =	sadd.s32 $0x20, s10;
	s15 =	smov.u32 s10;
	p2 =	sgt.s32 s13, $0xFF  }
0xc: {  	p1 =	slt.u32 s8, $0x2;
	s15 =	smov.u32 @p2 s11  }
0xd: {  	s8 =	sadd.s32 $0x1, s8;
	s13 =	simm.s32 @p2 $0x0;
	p2 =	sgt.s32 s15, $0x7F  }
0xe: {  	s15 =	smov.u32 @p2 s5;
	p2 =	sne.s32 s8, $0x42  }
.Ltmp1:
0xf: {  	_ = 	snop;
	(pc) =	sbr.rel @!p2 .LBB1_8-.Ltmp1, $4  }
0x10: {  	s14 =	simm.s32 @!p1 $0x2  }
0x11: {  	s12 =	smov.u32 s10;
	_ =	swait.ge @!p1 [sflag:s14], $0x4000  }
0x12: {  	p0 =	por !p0, !p0;
	s11 =	smov.u32 s9;
	[sflag:s14] =	ssyncset.done @!p1 $0x0  }
0x13: {  	s9 =	smov.u32 s13;
	[sflag:s14] =	ssyncadd.s32 @!p1 $0xFFFFC000;
	s10 =	smov.u32 s15  }
.LBB1_1:
0x14: {  	p1 =	sgt.u32 s8, $0x3F  }
0x15: {  	s13 =	sxor.u32 @!p1 $0xFFFFFFFF, s8;
	s14 =	sshll.u32 @!p1 s10, $0xF  }
0x16: {  	s15 =	sshll.u32 @!p1 s9, $0x7;
	s13 =	sshll.u32 @!p1 s13, $0xE;
	s14 =	sadd.s32 @!p1 s2, s14  }
0x17: {  	s13 =	sand.u32 @!p1 $0x4000, s13;
	s14 =	sadd.s32 @!p1 s15, s14;
	s15 =	simm.s32 @!p1 $0x0  }
0x18: {  	[tilespmem:s13], [sflag:$0x1] =	stream.linear.gather @!p1 [hbm4b:s14+s15], $0x4000, $0x38;
	[tilespmem:$0x10000] =	vst v63  }
0x19: {  	p1 =	seq.s32 s8, $0x0  }
0x1a: {  	p2 =	seq.s32 @!p1 s8, $0x41  }
0x1b: {  	p1 =	por p1, p2  }
.Ltmp2:
0x1c: {  	_ = 	snop;
	(pc) =	sbr.rel @p1 .LBB1_7-.Ltmp2, $1  }
0x1d: {  	_ =	sdelay $0x3  }
0x1e: {  	s13 =	simm.s32 $0x1;
	_ =	swait.ge [sflag:s4], $0x4000;
	s16 =	sshll.u32 s8, $0xE  }
0x1f: {  	s13 =	simm.s32 @!p0 $0x0;
	[sflag:s4] =	ssyncset.done $0x0;
	s31 =	sand.u32 $0x4000, s16  }
0x20: {  	s16 =	simm.s32 $0x0;
	s14 =	sshll.u32 s13, $0xE;
	[sflag:s4] =	ssyncadd.s32 $0xFFFFC000  }
0x21: {  	s13 =	sor.u32 $0x8040, s14;
	s15 =	sor.u32 $0x40, s14;
	s14 =	sor.u32 $0x8000, s31  }
.LBB1_3:
0x22: {  	v0 =	vmov s15;
	_ =	sdelay $0x3  }
0x23: {  	s18 =	simm.s32 $0x0  }
0x24: {  	v6 =	vld.idx.msk [tilespmem:v0+s18+$0x30 ss:$0x1], $0xffff  }
0x25: {  	v7 =	vld.idx.msk [tilespmem:v0+s18+$0xFFFFFFC0 ss:$0x1], $0xffff  }
0x26: {  	v5 =	vld.idx.msk [tilespmem:v0+s18+$0xFFFFFFD0 ss:$0x1], $0xffff  }
0x27: {  	v4 =	vld.idx.msk [tilespmem:v0+s18+$0xFFFFFFE0 ss:$0x1], $0xffff  }
0x28: {  	v3 =	vld.idx.msk [tilespmem:v0+s18+$0xFFFFFFF0 ss:$0x1], $0xffff  }
0x29: {  	v1 =	vld.idx.msk [tilespmem:v0+s18+$0x0 ss:$0x1], $0xffff  }
0x2a: {  	v2 =	vld.idx.msk [tilespmem:v0+s18+$0x10 ss:$0x1], $0xffff;
	[tilespmem:s13+$0x30] =	vst v6  }
0x2b: {  	s17 =	simm.s32 $0x80;
	s19 =	simm.s32 $0x400;
	[tilespmem:s13+$0xFFFFFFC0] =	vst v7;
	v6 =	vld.idx.msk [tilespmem:v0+s18+$0x20 ss:$0x1], $0xffff;
	s18 =	smov.u32 s13  }
.LBB1_4:
0x2c: {  	p1 =	sne.s32 s19, $0xE00;
	v7 =	vld.idx.msk [tilespmem:v0+s17+$0x30 ss:$0x1], $0xffff;
	[tilespmem:s18+$0xFFFFFFD0] =	vst v5  }
0x2d: {  	v8 =	vld.idx.msk [tilespmem:v0+s17+$0xFFFFFFC0 ss:$0x1], $0xffff;
	[tilespmem:s18+$0xFFFFFFE0] =	vst v4  }
0x2e: {  	v5 =	vld.idx.msk [tilespmem:v0+s17+$0xFFFFFFD0 ss:$0x1], $0xffff;
	[tilespmem:s18+$0xFFFFFFF0] =	vst v3  }
.Ltmp3:
0x2f: {  	v4 =	vld.idx.msk [tilespmem:v0+s17+$0xFFFFFFE0 ss:$0x1], $0xffff;
	[tilespmem:s18+$0x0] =	vst v1;
	(pc) =	sbr.rel @p1 .LBB1_4-.Ltmp3, $4  }
0x30: {  	v3 =	vld.idx.msk [tilespmem:v0+s17+$0xFFFFFFF0 ss:$0x1], $0xffff;
	[tilespmem:s18+$0x10] =	vst v2  }
0x31: {  	v1 =	vld.idx.msk [tilespmem:v0+s17+$0x0 ss:$0x1], $0xffff;
	[tilespmem:s18+$0x20] =	vst v6;
	s18 =	sadd.s32 $0x800, s18  }
0x32: {  	v2 =	vld.idx.msk [tilespmem:v0+s17+$0x10 ss:$0x1], $0xffff;
	[tilespmem:s18+$0x30] =	vst v7  }
0x33: {  	[tilespmem:s18+$0xFFFFFFC0] =	vst v8;
	v6 =	vld.idx.msk [tilespmem:v0+s17+$0x20 ss:$0x1], $0xffff;
	s17 =	sshra.s32 s19, $0x2;
	s19 =	sadd.s32 $0x200, s19  }
0x34: {  	_ =	sdelay $0x2  }
0x35: {  	[tilespmem:s18+$0xFFFFFFD0] =	vst v5  }
0x36: {  	v56 =	vld.idx.msk [tilespmem:v0+s17+$0x30 ss:$0x1], $0xffff;
	[tilespmem:s18+$0xFFFFFFE0] =	vst v4  }
0x37: {  	v57 =	vld.idx.msk [tilespmem:v0+s17+$0xFFFFFFC0 ss:$0x1], $0xffff;
	[tilespmem:s18+$0xFFFFFFF0] =	vst v3  }
0x38: {  	v58 =	vld.idx.msk [tilespmem:v0+s17+$0xFFFFFFD0 ss:$0x1], $0xffff;
	[tilespmem:s18+$0x0] =	vst v1  }
0x39: {  	v59 =	vld.idx.msk [tilespmem:v0+s17+$0xFFFFFFE0 ss:$0x1], $0xffff;
	[tilespmem:s18+$0x10] =	vst v2  }
0x3a: {  	v60 =	vld.idx.msk [tilespmem:v0+s17+$0xFFFFFFF0 ss:$0x1], $0xffff;
	s31 =	sadd.s32 $0x800, s18;
	[tilespmem:s18+$0x20] =	vst v6  }
0x3b: {  	v61 =	vld.idx.msk [tilespmem:v0+s17+$0x0 ss:$0x1], $0xffff;
	[tilespmem:s31+$0x30] =	vst v56  }
0x3c: {  	v62 =	vld.idx.msk [tilespmem:v0+s17+$0x10 ss:$0x1], $0xffff;
	s16 =	sadd.s32 $0x1, s16;
	[tilespmem:s31+$0xFFFFFFC0] =	vst v57  }
0x3d: {  	v63 =	vld.idx.msk [tilespmem:v0+s17+$0x20 ss:$0x1], $0xffff;
	p1 =	sne.s32 s16, $0x10;
	[tilespmem:s31+$0xFFFFFFD0] =	vst v58  }
.Ltmp4:
0x3e: {  	[tilespmem:s31+$0xFFFFFFE0] =	vst v59;
	(pc) =	sbr.rel @p1 .LBB1_3-.Ltmp4, $4  }
0x3f: {  	[tilespmem:s31+$0xFFFFFFF0] =	vst v60  }
0x40: {  	[tilespmem:s31+$0x0] =	vst v61  }
0x41: {  	[tilespmem:s31+$0x10] =	vst v62  }
0x42: {  	s13 =	sadd.s32 $0x80, s13;
	s15 =	sadd.s32 $0x400, s15;
	[tilespmem:s31+$0x20] =	vst v63  }
.Ltmp5:
0x43: {  	(pc) =	sbr.rel .LBB1_7-.Ltmp5, $4  }
0x44: {  	s12 =	sshll.u32 s12, $0xF;
	s11 =	sshll.u32 s11, $0x4  }
0x45: {  	s11 =	sand.u32 $0xFF0, s11;
	s12 =	sadd.s32 s3, s12  }
0x46: {  	s11 =	sadd.s32 s11, s12  }
0x47: {  	[hbm4b:s11+s6] =	stream.strided.scatter [tilespmem:s14], [sflag:$0x2], $0x4000, s7, s6, $0x38;
	[tilespmem:$0x10000] =	vst v63  }
.LBB1_8:
0x48: {  	_ =	sfence.sel $0x180000  }
0x49: {  	s2 =	simm.s32 $0x1;
	[bflag:$0x0] =	sbarrier.arrive $0xFFFF  }
0x4a: {  	s31 =	simm.s32 $0x2;
	[sflag:s2] =	ssyncpa.u1 $0x1  }
0x4b: {  	[sflag:s31] =	ssyncpa.u1 $0x1  }
0x4c: {  	p0 =	sne.s32 s1, $0x0;
	_ =	strace $0x90000047  }
0x4d: {  	s0 =	sadd.s32 @!p0 $0x100000, s0;
	[bflag:$0x2] =	sbarrier.arrive $0xFFFF  }
0x4e: {  	[sflag:s0] =	ssyncadd.tile.s32 @!p0 $0x1;
	_ =	shalt  }
.Lfunc_end1:
_tile_overlayer_lowered:
.L_overlay_start_2:
0x4f: {  	(tag) =	ssettag $0x2  }
0x50: {  	s0 =	rddreg [dreg:$0x0];
	s2 =	stileid.u32  }
0x51: {  	s1 =	rddreg [dreg:$0x1];
	p0 =	sne.s32 s2, $0x0  }
0x52: {  	s3 =	rddreg [dreg:$0x2];
	[bflag:$0x3] =	sbarrier.arrive $0xFFFF;
	s2 =	simm.s32 @!p0 $0x1C01  }
0x53: {  	[timem:s3], [sflag:s2] =	dma.local @!p0 [hbm:s0], s1  }
0x54: {  	s0 =	simm.s32 @!p0 $0x1  }
0x55: {  	_ =	swait.ge @!p0 [sflag:s0], s1  }
0x56: {  	s1 =	ssub.s32 @!p0 $0x0, s1;
	[sflag:s0] =	ssyncset.done @!p0 $0x0  }
0x57: {  	[sflag:s0] =	ssyncadd.s32 @!p0 s1  }
0x58: {  	[bflag:$0x3] =	sbarrier.arrive $0xFFFF  }
0x59: {  	_ =	shalt  }

</sc_bundles>
